<compile_context>
chip_gen: v7x
topology: tpu7x:2x2x1
jax: 0.10.2.dev20260603
libtpu: 0.0.44.dev20260713+nightly
codegen_flags: <defaults>
</compile_context>

<pallas_src>
import functools

import jax
import jax.numpy as jnp
from jax import lax
from jax.experimental import pallas as pl
from jax.experimental.pallas import tpu as pltpu
from jax.experimental.pallas import tpu_sc as plsc

N = 2048
D = 1024
H = 4096
NE = 64
BLK = 128
HCK = 1024
NH = H // HCK
NB = NE + (N - NE) // BLK
NBP = NB + 1
NP = NBP * BLK
TBL = 128
EPS = 1e-8


def _router_body(x_ref, wg_ref, bg_ref, dest_ref, be_ref, rb_ref, load_ref,
                 imp_ref, bal_ref, ent_ref, uent_ref):
    x = x_ref[...]
    logits = jnp.dot(x, wg_ref[...], preferred_element_type=jnp.float32)
    logits = logits + bg_ref[...]
    m = jnp.max(logits, axis=1, keepdims=True)
    eidx = lax.broadcasted_iota(jnp.int32, (N, NE), 1)
    top1 = jnp.min(jnp.where(logits == m, eidx, NE), axis=1)
    hit = (eidx == top1[:, None]).astype(jnp.float32)

    ex = jnp.exp(logits - m)
    p = ex / jnp.sum(ex, axis=1, keepdims=True)
    imp = jnp.mean(p, axis=0)
    imp_ref[...] = imp
    ent_ref[0, 0] = -jnp.mean(jnp.sum(p * jnp.log(p + EPS), axis=1))

    counts = jnp.sum(hit, axis=0)
    load = counts / jnp.float32(N)
    load_ref[...] = load
    bal_ref[0, 0] = jnp.float32(NE) * jnp.sum(imp * load)
    uent_ref[0, 0] = -jnp.sum(load * jnp.log(load + EPS))

    ltri = (lax.broadcasted_iota(jnp.int32, (N, N), 1)
            <= lax.broadcasted_iota(jnp.int32, (N, N), 0)).astype(jnp.float32)
    c = jnp.dot(ltri, hit, preferred_element_type=jnp.float32)
    rank = jnp.sum(c * hit, axis=1) - 1.0

    nb_e = jnp.floor((counts + jnp.float32(BLK - 1)) / jnp.float32(BLK))
    ltri64 = (lax.broadcasted_iota(jnp.int32, (NE, NE), 1)
              <= lax.broadcasted_iota(jnp.int32, (NE, NE), 0)).astype(jnp.float32)
    cnb = jnp.dot(ltri64[...], nb_e[:, None],
                  preferred_element_type=jnp.float32)[:, 0]
    excl = cnb - nb_e
    tot = jnp.sum(nb_e).astype(jnp.int32)

    row_off = jnp.float32(BLK) * excl
    dest = jnp.sum(hit * row_off[None, :], axis=1) + rank
    dest_ref[...] = dest.astype(jnp.int32)

    jvec = lax.broadcasted_iota(jnp.int32, (TBL,), 0)
    jc = jnp.minimum(jvec, tot - 1)
    rb_ref[...] = jc
    jmat = jnp.minimum(lax.broadcasted_iota(jnp.int32, (TBL, NE), 0), tot - 1)
    cnb_i = cnb.astype(jnp.int32)
    be_ref[...] = jnp.sum((jmat >= cnb_i[None, :]).astype(jnp.int32), axis=1)


def _route(x2d, wg, bg):
    return pl.pallas_call(
        _router_body,
        out_shape=(
            jax.ShapeDtypeStruct((N,), jnp.int32),
            jax.ShapeDtypeStruct((TBL,), jnp.int32),
            jax.ShapeDtypeStruct((TBL,), jnp.int32),
            jax.ShapeDtypeStruct((NE,), jnp.float32),
            jax.ShapeDtypeStruct((NE,), jnp.float32),
            jax.ShapeDtypeStruct((1, 1), jnp.float32),
            jax.ShapeDtypeStruct((1, 1), jnp.float32),
            jax.ShapeDtypeStruct((1, 1), jnp.float32),
        ),
        out_specs=(
            pl.BlockSpec(memory_space=pltpu.VMEM),
            pl.BlockSpec(memory_space=pltpu.VMEM),
            pl.BlockSpec(memory_space=pltpu.VMEM),
            pl.BlockSpec(memory_space=pltpu.VMEM),
            pl.BlockSpec(memory_space=pltpu.VMEM),
            pl.BlockSpec(memory_space=pltpu.SMEM),
            pl.BlockSpec(memory_space=pltpu.SMEM),
            pl.BlockSpec(memory_space=pltpu.SMEM),
        ),
    )(x2d, wg, bg)


def _sc_scatter_rows(x2d, dest):
    info = plsc.get_sparse_core_info()
    nw = info.num_cores * info.num_subcores
    chunk = N // nw
    mesh = plsc.VectorSubcoreMesh(core_axis_name="c", subcore_axis_name="s")

    @functools.partial(
        pl.kernel,
        out_type=jax.ShapeDtypeStruct((NP, D), jnp.float32),
        mesh=mesh,
        scratch_types=[
            pltpu.VMEM((chunk,), jnp.int32),
            pltpu.VMEM((chunk, D), jnp.float32),
            pltpu.SemaphoreType.DMA,
        ],
    )
    def k(x_hbm, dest_hbm, out_hbm, idx_v, rows_v, sem):
        wid = lax.axis_index("s") * info.num_cores + lax.axis_index("c")
        base = wid * chunk
        pltpu.sync_copy(dest_hbm.at[pl.ds(base, chunk)], idx_v)
        pltpu.sync_copy(x_hbm.at[pl.ds(base, chunk)], rows_v)
        pltpu.async_copy(rows_v, out_hbm.at[idx_v], sem).wait()

    return k(x2d, dest)


def _sc_gather_rows(buf, dest):
    info = plsc.get_sparse_core_info()
    nw = info.num_cores * info.num_subcores
    chunk = N // nw
    mesh = plsc.VectorSubcoreMesh(core_axis_name="c", subcore_axis_name="s")

    @functools.partial(
        pl.kernel,
        out_type=jax.ShapeDtypeStruct((N, D), jnp.float32),
        mesh=mesh,
        scratch_types=[
            pltpu.VMEM((chunk,), jnp.int32),
            pltpu.VMEM((chunk, D), jnp.float32),
            pltpu.SemaphoreType.DMA,
        ],
    )
    def k(buf_hbm, dest_hbm, out_hbm, idx_v, rows_v, sem):
        wid = lax.axis_index("s") * info.num_cores + lax.axis_index("c")
        base = wid * chunk
        pltpu.sync_copy(dest_hbm.at[pl.ds(base, chunk)], idx_v)
        pltpu.async_copy(buf_hbm.at[idx_v], rows_v, sem).wait()
        pltpu.sync_copy(rows_v, out_hbm.at[pl.ds(base, chunk)])

    return k(buf, dest)


def _ffn_body(be_ref, rb_ref, x_ref, w1_ref, b1_ref, w2_ref, b2_ref, g_ref,
              bb_ref, out_ref, acc_ref):
    j = pl.program_id(0)
    h = pl.program_id(1)
    active = jnp.logical_or(j == 0, rb_ref[j] != rb_ref[jnp.maximum(j - 1, 0)])

    @pl.when(active)
    def _():
        x = x_ref[...]
        hh = jnp.dot(x, w1_ref[0], preferred_element_type=jnp.float32)
        hh = hh + b1_ref[0, 0]
        hh = hh * 0.5 * (1.0 + lax.erf(hh * jnp.float32(0.7071067811865476)))
        part = jnp.dot(hh, w2_ref[0], preferred_element_type=jnp.float32)

        @pl.when(h == 0)
        def _():
            acc_ref[...] = x + b2_ref[0]

        acc_ref[...] += part

        @pl.when(h == NH - 1)
        def _():
            a = acc_ref[...]
            mu = jnp.mean(a, axis=1, keepdims=True)
            var = jnp.mean((a - mu) ** 2, axis=1, keepdims=True)
            out_ref[...] = ((a - mu) / jnp.sqrt(var + 1e-5) * g_ref[...]
                            + bb_ref[...])


def _grouped_ffn(be, rb, xp, w1, b1, w2, b2, g2, bb2):
    grid_spec = pltpu.PrefetchScalarGridSpec(
        num_scalar_prefetch=2,
        grid=(NBP, NH),
        in_specs=[
            pl.BlockSpec((BLK, D), lambda j, h, be, rb: (rb[j], 0)),
            pl.BlockSpec((1, D, HCK), lambda j, h, be, rb: (be[j], 0, h)),
            pl.BlockSpec((1, 1, 1, HCK), lambda j, h, be, rb: (be[j], h, 0, 0)),
            pl.BlockSpec((1, HCK, D), lambda j, h, be, rb: (be[j], h, 0)),
            pl.BlockSpec((1, 1, D), lambda j, h, be, rb: (be[j], 0, 0)),
            pl.BlockSpec((1, D), lambda j, h, be, rb: (0, 0)),
            pl.BlockSpec((1, D), lambda j, h, be, rb: (0, 0)),
        ],
        out_specs=pl.BlockSpec((BLK, D), lambda j, h, be, rb: (rb[j], 0)),
        scratch_shapes=[pltpu.VMEM((BLK, D), jnp.float32)],
    )
    return pl.pallas_call(
        _ffn_body,
        grid_spec=grid_spec,
        out_shape=jax.ShapeDtypeStruct((NP, D), jnp.float32),
        compiler_params=pltpu.CompilerParams(
            dimension_semantics=("arbitrary", "arbitrary")),
    )(be, rb, xp, w1, b1, w2, b2, g2, bb2)


def kernel(x, Wg, bg, W1, b1, W2, b2, ln_g, ln_b):
    x2d = x.reshape(N, D)
    dest, be, rb, load, imp, bal, ent, uent = _route(
        x2d, Wg, bg.reshape(1, NE))
    xp = _sc_scatter_rows(x2d, dest)
    outp = _grouped_ffn(be, rb, xp, W1, b1.reshape(NE, NH, 1, HCK),
                        W2, b2.reshape(NE, 1, D),
                        ln_g.reshape(1, D), ln_b.reshape(1, D))
    outn = _sc_gather_rows(outp, dest).reshape(x.shape)
    return (outn, bal[0, 0], ent[0, 0], uent[0, 0], load, imp)

# --- scband reference (transcript-rebuilt; emitter-appended) ---
"""Pipeline reference for scband-mo-elayer-76974403879710 (READ-ONLY COPY).

The authoritative reference and input builder live on the scoring server;
editing this copy changes nothing except your own understanding.
"""

import jax, jax.numpy as jnp
import numpy as np

E = 64
TOPK = 1
B, T, D, H = 1, 2048, 1024, 4096


def setup_inputs(seed: int = 0) -> dict:
    key = jax.random.key(seed)
    ks = jax.random.split(key, 9)
    x = jax.random.normal(ks[0], (B, T, D), dtype=jnp.float32)
    Wg = jax.random.normal(ks[1], (D, E), dtype=jnp.float32) * 0.02
    bg = jnp.zeros((E,), dtype=jnp.float32)
    W1 = jax.random.normal(ks[2], (E, D, H), dtype=jnp.float32) * 0.02
    b1 = jnp.zeros((E, H), dtype=jnp.float32)
    W2 = jax.random.normal(ks[3], (E, H, D), dtype=jnp.float32) * 0.02
    b2 = jnp.zeros((E, D), dtype=jnp.float32)
    ln_g = jnp.ones((D,), dtype=jnp.float32)
    ln_b = jnp.zeros((D,), dtype=jnp.float32)
    return {"x": x, "Wg": Wg, "bg": bg, "W1": W1, "b1": b1, "W2": W2, "b2": b2, "ln_g": ln_g, "ln_b": ln_b}


def reference(x, Wg, bg, W1, b1, W2, b2, ln_g, ln_b):
    # eval mode: no router noise, no dropout
    b, t, d = x.shape
    tokens = x.reshape(b * t, d)
    N = tokens.shape[0]
    logits = tokens @ Wg + bg
    topk_val, topk_idx = jax.lax.top_k(logits, TOPK)
    topk_prob = jax.nn.softmax(topk_val, axis=-1)
    gates = jnp.zeros_like(logits).at[jnp.arange(N)[:, None], topk_idx].set(topk_prob)
    hit = jnp.any(topk_idx[:, :, None] == jnp.arange(E)[None, None, :], axis=1)
    load = hit.sum(axis=0).astype(jnp.float32) / jnp.float32(N)

    def expert_body(e, out):
        h = jax.nn.gelu(tokens @ W1[e] + b1[e], approximate=False)
        y = h @ W2[e] + b2[e]
        w = gates[:, e]
        return out + y * w[:, None]

    out = jax.lax.fori_loop(0, E, expert_body, jnp.zeros_like(tokens))
    out = out.reshape(b, t, d)
    res = out + x
    mu = res.mean(axis=-1, keepdims=True)
    var = ((res - mu) ** 2).mean(axis=-1, keepdims=True)
    outn = (res - mu) / jnp.sqrt(var + 1e-5) * ln_g + ln_b
    route_probs = jax.nn.softmax(logits, axis=-1)
    importance = route_probs.mean(axis=0)
    balance_loss = E * jnp.sum(importance * load)
    eps = 1e-8
    entropy = -(route_probs * jnp.log(route_probs + eps)).sum(axis=-1).mean()
    utilization_entropy = -(load * jnp.log(load + eps)).sum()
    return (outn, balance_loss, entropy, utilization_entropy, load, importance)

if __name__ == "__main__":
    import jax
    _d = setup_inputs()
    print(jax.jit(kernel)(*tuple(_d.values())))

</pallas_src>

<mosaic_0001>
#map = affine_map<(d0, d1) -> (0, 0)>
#map1 = affine_map<(d0, d1) -> (0)>
module attributes {stable_mosaic.version = 14 : i64} {
  func.func @k(%arg0: i32, %arg1: i32, %arg2: memref<2048x1024xf32, #tpu.memory_space<hbm>>, %arg3: memref<2048xi32, #tpu.memory_space<hbm>>, %arg4: memref<10240x1024xf32, #tpu.memory_space<hbm>>, %arg5: memref<64xi32, #tpu.memory_space<vmem>>, %arg6: memref<64x1024xf32, #tpu.memory_space<vmem>>, %arg7: memref<!tpu.dma_semaphore, #tpu.memory_space<semaphore_mem>>) attributes {dimension_semantics = [#tpu.dimension_semantics<core_parallel>, #tpu.dimension_semantics<subcore_parallel>], iteration_bounds = array<i64: 2, 16>, scalar_prefetch = 0 : i64, scratch_operands = 3 : i64, tpu.core_type = #tpu.core_type<sc_vector_subcore>, window_params = [{transform_indices = #map}, {transform_indices = #map1}, {transform_indices = #map}]} {
    %mul3A = arith.constant 2 : i32
    %mul3A_0 = arith.muli %arg1, %mul3A : i32
    %add3A = arith.addi %mul3A_0, %arg0 : i32
    %mul3A_1 = arith.constant 64 : i32
    %mul3A_2 = arith.muli %add3A, %mul3A_1 : i32
    "tpu.region"() ({
      %run_scoped3A = tpu.sem_alloc : memref<!tpu.dma_semaphore, #tpu.memory_space<semaphore_mem>>
      %dma_start3A_7 = tpu.memref_slice %arg3[%mul3A_2] : memref<2048xi32, #tpu.memory_space<hbm>> -> memref<64xi32, #tpu.memory_space<hbm>>
      %dma_start3A_8 = tpu.memref_slice %arg3[%mul3A_2] : memref<2048xi32, #tpu.memory_space<hbm>> -> memref<64xi32, #tpu.memory_space<hbm>>
      tpu.enqueue_dma source(%dma_start3A_8 : memref<64xi32, #tpu.memory_space<hbm>>) target(%arg5 : memref<64xi32, #tpu.memory_space<vmem>>) target_semaphore(%run_scoped3A : memref<!tpu.dma_semaphore, #tpu.memory_space<semaphore_mem>>)
      %dma_wait3A_9 = tpu.memref_slice %arg3[%mul3A_2] : memref<2048xi32, #tpu.memory_space<hbm>> -> memref<64xi32, #tpu.memory_space<hbm>>
      %dma_wait3A_10 = tpu.memref_slice %arg3[%mul3A_2] : memref<2048xi32, #tpu.memory_space<hbm>> -> memref<64xi32, #tpu.memory_space<hbm>>
      tpu.wait_dma2 semaphore(%run_scoped3A : memref<!tpu.dma_semaphore, #tpu.memory_space<semaphore_mem>>) src(%dma_wait3A_10 : memref<64xi32, #tpu.memory_space<hbm>>) dst(%arg5 : memref<64xi32, #tpu.memory_space<vmem>>)
      tpu.yield
    }) : () -> ()
    "tpu.region"() ({
      %run_scoped3A = tpu.sem_alloc : memref<!tpu.dma_semaphore, #tpu.memory_space<semaphore_mem>>
      %dma_start3A_7 = arith.constant 0 : i32
      %dma_start3A_8 = tpu.memref_slice %arg2[%mul3A_2, %dma_start3A_7] : memref<2048x1024xf32, #tpu.memory_space<hbm>> -> memref<64x1024xf32, #tpu.memory_space<hbm>>
      %dma_start3A_9 = arith.constant 0 : i32
      %dma_start3A_10 = tpu.memref_slice %arg2[%mul3A_2, %dma_start3A_9] : memref<2048x1024xf32, #tpu.memory_space<hbm>> -> memref<64x1024xf32, #tpu.memory_space<hbm>>
      tpu.enqueue_dma source(%dma_start3A_10 : memref<64x1024xf32, #tpu.memory_space<hbm>>) target(%arg6 : memref<64x1024xf32, #tpu.memory_space<vmem>>) target_semaphore(%run_scoped3A : memref<!tpu.dma_semaphore, #tpu.memory_space<semaphore_mem>>)
      %dma_wait3A_11 = arith.constant 0 : i32
      %dma_wait3A_12 = tpu.memref_slice %arg2[%mul3A_2, %dma_wait3A_11] : memref<2048x1024xf32, #tpu.memory_space<hbm>> -> memref<64x1024xf32, #tpu.memory_space<hbm>>
      %dma_wait3A_13 = arith.constant 0 : i32
      %dma_wait3A_14 = tpu.memref_slice %arg2[%mul3A_2, %dma_wait3A_13] : memref<2048x1024xf32, #tpu.memory_space<hbm>> -> memref<64x1024xf32, #tpu.memory_space<hbm>>
      tpu.wait_dma2 semaphore(%run_scoped3A : memref<!tpu.dma_semaphore, #tpu.memory_space<semaphore_mem>>) src(%dma_wait3A_14 : memref<64x1024xf32, #tpu.memory_space<hbm>>) dst(%arg6 : memref<64x1024xf32, #tpu.memory_space<vmem>>)
      tpu.yield
    }) : () -> ()
    %dma_start3A = arith.constant 0 : i32
    %dma_start3A_3 = arith.constant 0 : i32
    %dma_start3A_4 = tpu.memref_slice %arg4[%dma_start3A, %dma_start3A_3] : memref<10240x1024xf32, #tpu.memory_space<hbm>> -> memref<10240x1024xf32, #tpu.memory_space<hbm>>
    tpu.enqueue_indirect_dma source(%arg6 : memref<64x1024xf32, #tpu.memory_space<vmem>>) target(%dma_start3A_4 : memref<10240x1024xf32, #tpu.memory_space<hbm>>) offsets(%arg5 : memref<64xi32, #tpu.memory_space<vmem>>) semaphore(%arg7 : memref<!tpu.dma_semaphore, #tpu.memory_space<semaphore_mem>>)
    %dma_wait3A = arith.constant 0 : i32
    %dma_wait3A_5 = arith.constant 0 : i32
    %dma_wait3A_6 = tpu.memref_slice %arg4[%dma_wait3A, %dma_wait3A_5] : memref<10240x1024xf32, #tpu.memory_space<hbm>> -> memref<10240x1024xf32, #tpu.memory_space<hbm>>
    tpu.wait_indirect_dma semaphore(%arg7 : memref<!tpu.dma_semaphore, #tpu.memory_space<semaphore_mem>>) src(%arg6 : memref<64x1024xf32, #tpu.memory_space<vmem>>) dst(%dma_wait3A_6 : memref<10240x1024xf32, #tpu.memory_space<hbm>>)
    return
  }
}

#map = affine_map<(d0, d1) -> (0, 0)>
#map1 = affine_map<(d0, d1) -> (0)>
module attributes {stable_mosaic.version = 14 : i64} {
  func.func @k(%arg0: i32, %arg1: i32, %arg2: memref<10240x1024xf32, #tpu.memory_space<hbm>>, %arg3: memref<2048xi32, #tpu.memory_space<hbm>>, %arg4: memref<2048x1024xf32, #tpu.memory_space<hbm>>, %arg5: memref<64xi32, #tpu.memory_space<vmem>>, %arg6: memref<64x1024xf32, #tpu.memory_space<vmem>>, %arg7: memref<!tpu.dma_semaphore, #tpu.memory_space<semaphore_mem>>) attributes {dimension_semantics = [#tpu.dimension_semantics<core_parallel>, #tpu.dimension_semantics<subcore_parallel>], iteration_bounds = array<i64: 2, 16>, scalar_prefetch = 0 : i64, scratch_operands = 3 : i64, tpu.core_type = #tpu.core_type<sc_vector_subcore>, window_params = [{transform_indices = #map}, {transform_indices = #map1}, {transform_indices = #map}]} {
    %mul3A = arith.constant 2 : i32
    %mul3A_0 = arith.muli %arg1, %mul3A : i32
    %add3A = arith.addi %mul3A_0, %arg0 : i32
    %mul3A_1 = arith.constant 64 : i32
    %mul3A_2 = arith.muli %add3A, %mul3A_1 : i32
    "tpu.region"() ({
      %run_scoped3A = tpu.sem_alloc : memref<!tpu.dma_semaphore, #tpu.memory_space<semaphore_mem>>
      %dma_start3A_7 = tpu.memref_slice %arg3[%mul3A_2] : memref<2048xi32, #tpu.memory_space<hbm>> -> memref<64xi32, #tpu.memory_space<hbm>>
      %dma_start3A_8 = tpu.memref_slice %arg3[%mul3A_2] : memref<2048xi32, #tpu.memory_space<hbm>> -> memref<64xi32, #tpu.memory_space<hbm>>
      tpu.enqueue_dma source(%dma_start3A_8 : memref<64xi32, #tpu.memory_space<hbm>>) target(%arg5 : memref<64xi32, #tpu.memory_space<vmem>>) target_semaphore(%run_scoped3A : memref<!tpu.dma_semaphore, #tpu.memory_space<semaphore_mem>>)
      %dma_wait3A_9 = tpu.memref_slice %arg3[%mul3A_2] : memref<2048xi32, #tpu.memory_space<hbm>> -> memref<64xi32, #tpu.memory_space<hbm>>
      %dma_wait3A_10 = tpu.memref_slice %arg3[%mul3A_2] : memref<2048xi32, #tpu.memory_space<hbm>> -> memref<64xi32, #tpu.memory_space<hbm>>
      tpu.wait_dma2 semaphore(%run_scoped3A : memref<!tpu.dma_semaphore, #tpu.memory_space<semaphore_mem>>) src(%dma_wait3A_10 : memref<64xi32, #tpu.memory_space<hbm>>) dst(%arg5 : memref<64xi32, #tpu.memory_space<vmem>>)
      tpu.yield
    }) : () -> ()
    %dma_start3A = arith.constant 0 : i32
    %dma_start3A_3 = arith.constant 0 : i32
    %dma_start3A_4 = tpu.memref_slice %arg2[%dma_start3A, %dma_start3A_3] : memref<10240x1024xf32, #tpu.memory_space<hbm>> -> memref<10240x1024xf32, #tpu.memory_space<hbm>>
    tpu.enqueue_indirect_dma source(%dma_start3A_4 : memref<10240x1024xf32, #tpu.memory_space<hbm>>) target(%arg6 : memref<64x1024xf32, #tpu.memory_space<vmem>>) offsets(%arg5 : memref<64xi32, #tpu.memory_space<vmem>>) semaphore(%arg7 : memref<!tpu.dma_semaphore, #tpu.memory_space<semaphore_mem>>)
    %dma_wait3A = arith.constant 0 : i32
    %dma_wait3A_5 = arith.constant 0 : i32
    %dma_wait3A_6 = tpu.memref_slice %arg2[%dma_wait3A, %dma_wait3A_5] : memref<10240x1024xf32, #tpu.memory_space<hbm>> -> memref<10240x1024xf32, #tpu.memory_space<hbm>>
    tpu.wait_indirect_dma semaphore(%arg7 : memref<!tpu.dma_semaphore, #tpu.memory_space<semaphore_mem>>) src(%dma_wait3A_6 : memref<10240x1024xf32, #tpu.memory_space<hbm>>) dst(%arg6 : memref<64x1024xf32, #tpu.memory_space<vmem>>)
    "tpu.region"() ({
      %run_scoped3A = tpu.sem_alloc : memref<!tpu.dma_semaphore, #tpu.memory_space<semaphore_mem>>
      %dma_start3A_7 = arith.constant 0 : i32
      %dma_start3A_8 = tpu.memref_slice %arg4[%mul3A_2, %dma_start3A_7] : memref<2048x1024xf32, #tpu.memory_space<hbm>> -> memref<64x1024xf32, #tpu.memory_space<hbm>>
      %dma_start3A_9 = arith.constant 0 : i32
      %dma_start3A_10 = tpu.memref_slice %arg4[%mul3A_2, %dma_start3A_9] : memref<2048x1024xf32, #tpu.memory_space<hbm>> -> memref<64x1024xf32, #tpu.memory_space<hbm>>
      tpu.enqueue_dma source(%arg6 : memref<64x1024xf32, #tpu.memory_space<vmem>>) target(%dma_start3A_10 : memref<64x1024xf32, #tpu.memory_space<hbm>>) target_semaphore(%run_scoped3A : memref<!tpu.dma_semaphore, #tpu.memory_space<semaphore_mem>>)
      %dma_wait3A_11 = arith.constant 0 : i32
      %dma_wait3A_12 = tpu.memref_slice %arg4[%mul3A_2, %dma_wait3A_11] : memref<2048x1024xf32, #tpu.memory_space<hbm>> -> memref<64x1024xf32, #tpu.memory_space<hbm>>
      %dma_wait3A_13 = arith.constant 0 : i32
      %dma_wait3A_14 = tpu.memref_slice %arg4[%mul3A_2, %dma_wait3A_13] : memref<2048x1024xf32, #tpu.memory_space<hbm>> -> memref<64x1024xf32, #tpu.memory_space<hbm>>
      tpu.wait_dma2 semaphore(%run_scoped3A : memref<!tpu.dma_semaphore, #tpu.memory_space<semaphore_mem>>) src(%arg6 : memref<64x1024xf32, #tpu.memory_space<vmem>>) dst(%dma_wait3A_14 : memref<64x1024xf32, #tpu.memory_space<hbm>>)
      tpu.yield
    }) : () -> ()
    return
  }
}

module attributes {stable_mosaic.version = 14 : i64} {
  func.func @_router_body(%arg0: memref<2048x1024xf32, #tpu.memory_space<vmem>>, %arg1: memref<1024x64xf32, #tpu.memory_space<vmem>>, %arg2: memref<1x64xf32, #tpu.memory_space<vmem>>, %arg3: memref<2048xi32, #tpu.memory_space<vmem>>, %arg4: memref<128xi32, #tpu.memory_space<vmem>>, %arg5: memref<128xi32, #tpu.memory_space<vmem>>, %arg6: memref<64xf32, #tpu.memory_space<vmem>>, %arg7: memref<64xf32, #tpu.memory_space<vmem>>, %arg8: memref<1x1xf32, #tpu.memory_space<smem>>, %arg9: memref<1x1xf32, #tpu.memory_space<smem>>, %arg10: memref<1x1xf32, #tpu.memory_space<smem>>) attributes {dimension_semantics = [], scalar_prefetch = 0 : i64, scratch_operands = 0 : i64, tpu.core_type = #tpu.core_type<tc>} {
    %get3A = arith.constant 0 : index
    %get3A_0 = arith.constant 0 : index
    %get3A_1 = vector.load %arg0[%get3A, %get3A_0] : memref<2048x1024xf32, #tpu.memory_space<vmem>>, vector<2048x1024xf32>
    %get3A_2 = arith.constant 0 : index
    %get3A_3 = arith.constant 0 : index
    %get3A_4 = vector.load %arg1[%get3A_2, %get3A_3] : memref<1024x64xf32, #tpu.memory_space<vmem>>, vector<1024x64xf32>
    %dot_general3A = arith.constant dense<0.000000e+00> : vector<2048x64xf32>
    %dot_general3A_5 = tpu.matmul %get3A_1, %get3A_4, %dot_general3A {dimension_numbers = #tpu.dot_dimension_numbers<[1], [0], [0], [1], [0, 0, 1, 1], [], []>, transpose_lhs_hint = false} : vector<2048x1024xf32>, vector<1024x64xf32>, vector<2048x64xf32> -> vector<2048x64xf32>
    %get3A_6 = arith.constant 0 : index
    %get3A_7 = arith.constant 0 : index
    %get3A_8 = vector.load %arg2[%get3A_6, %get3A_7] : memref<1x64xf32, #tpu.memory_space<vmem>>, vector<1x64xf32>
    %add3A = vector.broadcast %get3A_8 : vector<1x64xf32> to vector<2048x64xf32>
    %add3A_9 = arith.addf %dot_general3A_5, %add3A : vector<2048x64xf32>
    %reduce_max3A = arith.constant dense<0xFF800000> : vector<2048xf32>
    %reduce_max3A_10 = vector.multi_reduction <maximumf>, %add3A_9, %reduce_max3A [1] : vector<2048x64xf32> to vector<2048xf32>
    %broadcast_in_dim3A = vector.shape_cast %reduce_max3A_10 : vector<2048xf32> to vector<2048x1xf32>
    %iota3A = tpu.iota {dimensions = array<i32: 1>} : vector<2048x64xi32>
    %eq3A = vector.broadcast %broadcast_in_dim3A : vector<2048x1xf32> to vector<2048x64xf32>
    %eq3A_11 = arith.cmpf oeq, %add3A_9, %eq3A : vector<2048x64xf32>
    %jit3A = arith.constant 64 : i32
    %broadcast_in_dim3A_12 = vector.broadcast %jit3A : i32 to vector<2048x64xi32>
    %select_n3A = arith.select %eq3A_11, %iota3A, %broadcast_in_dim3A_12 : vector<2048x64xi1>, vector<2048x64xi32>
    %reduce_min3A = arith.constant dense<2147483647> : vector<2048xi32>
    %reduce_min3A_13 = vector.multi_reduction <minsi>, %select_n3A, %reduce_min3A [1] : vector<2048x64xi32> to vector<2048xi32>
    %broadcast_in_dim3A_14 = vector.shape_cast %reduce_min3A_13 : vector<2048xi32> to vector<2048x1xi32>
    %eq3A_15 = vector.broadcast %broadcast_in_dim3A_14 : vector<2048x1xi32> to vector<2048x64xi32>
    %eq3A_16 = arith.cmpi eq, %iota3A, %eq3A_15 : vector<2048x64xi32>
    %convert_element_type3A = arith.extui %eq3A_16 : vector<2048x64xi1> to vector<2048x64xi32>
    %convert_element_type3A_17 = arith.sitofp %convert_element_type3A : vector<2048x64xi32> to vector<2048x64xf32>
    %sub3A = vector.broadcast %broadcast_in_dim3A : vector<2048x1xf32> to vector<2048x64xf32>
    %sub3A_18 = arith.subf %add3A_9, %sub3A : vector<2048x64xf32>
    %exp3A = math.exp %sub3A_18 : vector<2048x64xf32>
    %reduce_sum3A = arith.constant dense<0.000000e+00> : vector<2048xf32>
    %reduce_sum3A_19 = vector.multi_reduction <add>, %exp3A, %reduce_sum3A [1] : vector<2048x64xf32> to vector<2048xf32>
    %broadcast_in_dim3A_20 = vector.shape_cast %reduce_sum3A_19 : vector<2048xf32> to vector<2048x1xf32>
    %div3A = vector.broadcast %broadcast_in_dim3A_20 : vector<2048x1xf32> to vector<2048x64xf32>
    %div3A_21 = arith.divf %exp3A, %div3A : vector<2048x64xf32>
    %reduce_sum3A_22 = arith.constant dense<0.000000e+00> : vector<64xf32>
    %reduce_sum3A_23 = vector.multi_reduction <add>, %div3A_21, %reduce_sum3A_22 [0] : vector<2048x64xf32> to vector<64xf32>
    %div3A_24 = arith.constant 2.048000e+03 : f32
    %div3A_25 = vector.broadcast %div3A_24 : f32 to vector<64xf32>
    %div3A_26 = arith.divf %reduce_sum3A_23, %div3A_25 : vector<64xf32>
    %swap3A = arith.constant 0 : index
    %swap3A_27 = vector.load %arg7[%swap3A] : memref<64xf32, #tpu.memory_space<vmem>>, vector<64xf32>
    tpu.vector_store %arg7[%swap3A], %div3A_26 {strides = array<i32>} : memref<64xf32, #tpu.memory_space<vmem>>, vector<64xf32>,
    %add3A_28 = arith.constant 9.99999993E-9 : f32
    %add3A_29 = vector.broadcast %add3A_28 : f32 to vector<2048x64xf32>
    %add3A_30 = arith.addf %div3A_21, %add3A_29 : vector<2048x64xf32>
    %log3A = math.log %add3A_30 : vector<2048x64xf32>
    %mul3A = arith.mulf %div3A_21, %log3A : vector<2048x64xf32>
    %reduce_sum3A_31 = arith.constant dense<0.000000e+00> : vector<2048xf32>
    %reduce_sum3A_32 = vector.multi_reduction <add>, %mul3A, %reduce_sum3A_31 [1] : vector<2048x64xf32> to vector<2048xf32>
    %reduce_sum3A_33 = vector.shape_cast %reduce_sum3A_32 : vector<2048xf32> to vector<1x2048xf32>
    %reduce_sum3A_34 = arith.constant dense<0.000000e+00> : vector<1xf32>
    %reduce_sum3A_35 = vector.multi_reduction <add>, %reduce_sum3A_33, %reduce_sum3A_34 [1] : vector<1x2048xf32> to vector<1xf32>
    %reduce_sum3A_36 = vector.shape_cast %reduce_sum3A_35 : vector<1xf32> to vector<1x1xf32>
    %reduce_sum3A_37 = vector.extract %reduce_sum3A_36[0, 0] : f32 from vector<1x1xf32>
    %div3A_38 = arith.constant 2.048000e+03 : f32
    %div3A_39 = arith.divf %reduce_sum3A_37, %div3A_38 : f32
    %neg3A = arith.constant 0.000000e+00 : f32
    %neg3A_40 = arith.subf %neg3A, %div3A_39 : f32
    %swap3A_41 = arith.constant 0 : index
    %swap3A_42 = arith.constant 0 : index
    %swap3A_43 = memref.load %arg9[%swap3A_41, %swap3A_42] : memref<1x1xf32, #tpu.memory_space<smem>>
    memref.store %neg3A_40, %arg9[%swap3A_41, %swap3A_42] : memref<1x1xf32, #tpu.memory_space<smem>>
    %reduce_sum3A_44 = arith.constant dense<0.000000e+00> : vector<64xf32>
    %reduce_sum3A_45 = vector.multi_reduction <add>, %convert_element_type3A_17, %reduce_sum3A_44 [0] : vector<2048x64xf32> to vector<64xf32>
    %div3A_46 = arith.constant 2.048000e+03 : f32
    %div3A_47 = vector.broadcast %div3A_46 : f32 to vector<64xf32>
    %div3A_48 = arith.divf %reduce_sum3A_45, %div3A_47 : vector<64xf32>
    %swap3A_49 = arith.constant 0 : index
    %swap3A_50 = vector.load %arg6[%swap3A_49] : memref<64xf32, #tpu.memory_space<vmem>>, vector<64xf32>
    tpu.vector_store %arg6[%swap3A_49], %div3A_48 {strides = array<i32>} : memref<64xf32, #tpu.memory_space<vmem>>, vector<64xf32>,
    %mul3A_51 = arith.mulf %div3A_26, %div3A_48 : vector<64xf32>
    %reduce_sum3A_52 = vector.shape_cast %mul3A_51 : vector<64xf32> to vector<1x64xf32>
    %reduce_sum3A_53 = arith.constant dense<0.000000e+00> : vector<1xf32>
    %reduce_sum3A_54 = vector.multi_reduction <add>, %reduce_sum3A_52, %reduce_sum3A_53 [1] : vector<1x64xf32> to vector<1xf32>
    %reduce_sum3A_55 = vector.shape_cast %reduce_sum3A_54 : vector<1xf32> to vector<1x1xf32>
    %reduce_sum3A_56 = vector.extract %reduce_sum3A_55[0, 0] : f32 from vector<1x1xf32>
    %mul3A_57 = arith.constant 6.400000e+01 : f32
    %mul3A_58 = arith.mulf %mul3A_57, %reduce_sum3A_56 : f32
    %swap3A_59 = arith.constant 0 : index
    %swap3A_60 = arith.constant 0 : index
    %swap3A_61 = memref.load %arg8[%swap3A_59, %swap3A_60] : memref<1x1xf32, #tpu.memory_space<smem>>
    memref.store %mul3A_58, %arg8[%swap3A_59, %swap3A_60] : memref<1x1xf32, #tpu.memory_space<smem>>
    %add3A_62 = arith.constant 9.99999993E-9 : f32
    %add3A_63 = vector.broadcast %add3A_62 : f32 to vector<64xf32>
    %add3A_64 = arith.addf %div3A_48, %add3A_63 : vector<64xf32>
    %log3A_65 = math.log %add3A_64 : vector<64xf32>
    %mul3A_66 = arith.mulf %div3A_48, %log3A_65 : vector<64xf32>
    %reduce_sum3A_67 = vector.shape_cast %mul3A_66 : vector<64xf32> to vector<1x64xf32>
    %reduce_sum3A_68 = arith.constant dense<0.000000e+00> : vector<1xf32>
    %reduce_sum3A_69 = vector.multi_reduction <add>, %reduce_sum3A_67, %reduce_sum3A_68 [1] : vector<1x64xf32> to vector<1xf32>
    %reduce_sum3A_70 = vector.shape_cast %reduce_sum3A_69 : vector<1xf32> to vector<1x1xf32>
    %reduce_sum3A_71 = vector.extract %reduce_sum3A_70[0, 0] : f32 from vector<1x1xf32>
    %neg3A_72 = arith.constant 0.000000e+00 : f32
    %neg3A_73 = arith.subf %neg3A_72, %reduce_sum3A_71 : f32
    %swap3A_74 = arith.constant 0 : index
    %swap3A_75 = arith.constant 0 : index
    %swap3A_76 = memref.load %arg10[%swap3A_74, %swap3A_75] : memref<1x1xf32, #tpu.memory_space<smem>>
    memref.store %neg3A_73, %arg10[%swap3A_74, %swap3A_75] : memref<1x1xf32, #tpu.memory_space<smem>>
    %iota3A_77 = tpu.iota {dimensions = array<i32: 1>} : vector<2048x2048xi32>
    %iota3A_78 = tpu.iota {dimensions = array<i32: 0>} : vector<2048x2048xi32>
    %le3A = arith.cmpi sle, %iota3A_77, %iota3A_78 : vector<2048x2048xi32>
    %convert_element_type3A_79 = arith.extui %le3A : vector<2048x2048xi1> to vector<2048x2048xi32>
    %convert_element_type3A_80 = arith.sitofp %convert_element_type3A_79 : vector<2048x2048xi32> to vector<2048x2048xf32>
    %dot_general3A_81 = arith.constant dense<0.000000e+00> : vector<2048x64xf32>
    %dot_general3A_82 = tpu.matmul %convert_element_type3A_80, %convert_element_type3A_17, %dot_general3A_81 {dimension_numbers = #tpu.dot_dimension_numbers<[1], [0], [0], [1], [0, 0, 1, 1], [], []>, transpose_lhs_hint = false} : vector<2048x2048xf32>, vector<2048x64xf32>, vector<2048x64xf32> -> vector<2048x64xf32>
    %mul3A_83 = arith.mulf %dot_general3A_82, %convert_element_type3A_17 : vector<2048x64xf32>
    %reduce_sum3A_84 = arith.constant dense<0.000000e+00> : vector<2048xf32>
    %reduce_sum3A_85 = vector.multi_reduction <add>, %mul3A_83, %reduce_sum3A_84 [1] : vector<2048x64xf32> to vector<2048xf32>
    %sub3A_86 = arith.constant 1.000000e+00 : f32
    %sub3A_87 = vector.broadcast %sub3A_86 : f32 to vector<2048xf32>
    %sub3A_88 = arith.subf %reduce_sum3A_85, %sub3A_87 : vector<2048xf32>
    %add3A_89 = arith.constant 1.270000e+02 : f32
    %add3A_90 = vector.broadcast %add3A_89 : f32 to vector<64xf32>
    %add3A_91 = arith.addf %reduce_sum3A_45, %add3A_90 : vector<64xf32>
    %div3A_92 = arith.constant 1.280000e+02 : f32
    %div3A_93 = vector.broadcast %div3A_92 : f32 to vector<64xf32>
    %div3A_94 = arith.divf %add3A_91, %div3A_93 : vector<64xf32>
    %floor3A = math.floor %div3A_94 : vector<64xf32>
    %iota3A_95 = tpu.iota {dimensions = array<i32: 1>} : vector<64x64xi32>
    %iota3A_96 = tpu.iota {dimensions = array<i32: 0>} : vector<64x64xi32>
    %le3A_97 = arith.cmpi sle, %iota3A_95, %iota3A_96 : vector<64x64xi32>
    %convert_element_type3A_98 = arith.extui %le3A_97 : vector<64x64xi1> to vector<64x64xi32>
    %convert_element_type3A_99 = arith.sitofp %convert_element_type3A_98 : vector<64x64xi32> to vector<64x64xf32>
    %broadcast_in_dim3A_100 = vector.shape_cast %floor3A : vector<64xf32> to vector<64x1xf32>
    %dot_general3A_101 = arith.constant dense<0.000000e+00> : vector<64x1xf32>
    %dot_general3A_102 = tpu.matmul %convert_element_type3A_99, %broadcast_in_dim3A_100, %dot_general3A_101 {dimension_numbers = #tpu.dot_dimension_numbers<[1], [0], [0], [1], [0, 0, 1, 1], [], []>, transpose_lhs_hint = false} : vector<64x64xf32>, vector<64x1xf32>, vector<64x1xf32> -> vector<64x1xf32>
    %squeeze3A = vector.shape_cast %dot_general3A_102 : vector<64x1xf32> to vector<64xf32>
    %sub3A_103 = arith.subf %squeeze3A, %floor3A : vector<64xf32>
    %reduce_sum3A_104 = vector.shape_cast %floor3A : vector<64xf32> to vector<1x64xf32>
    %reduce_sum3A_105 = arith.constant dense<0.000000e+00> : vector<1xf32>
    %reduce_sum3A_106 = vector.multi_reduction <add>, %reduce_sum3A_104, %reduce_sum3A_105 [1] : vector<1x64xf32> to vector<1xf32>
    %reduce_sum3A_107 = vector.shape_cast %reduce_sum3A_106 : vector<1xf32> to vector<1x1xf32>
    %reduce_sum3A_108 = vector.extract %reduce_sum3A_107[0, 0] : f32 from vector<1x1xf32>
    %convert_element_type3A_109 = arith.fptosi %reduce_sum3A_108 : f32 to i32
    %mul3A_110 = arith.constant 1.280000e+02 : f32
    %mul3A_111 = vector.broadcast %mul3A_110 : f32 to vector<64xf32>
    %mul3A_112 = arith.mulf %mul3A_111, %sub3A_103 : vector<64xf32>
    %broadcast_in_dim3A_113 = vector.shape_cast %mul3A_112 : vector<64xf32> to vector<1x64xf32>
    %mul3A_114 = vector.broadcast %broadcast_in_dim3A_113 : vector<1x64xf32> to vector<2048x64xf32>
    %mul3A_115 = arith.mulf %convert_element_type3A_17, %mul3A_114 : vector<2048x64xf32>
    %reduce_sum3A_116 = arith.constant dense<0.000000e+00> : vector<2048xf32>
    %reduce_sum3A_117 = vector.multi_reduction <add>, %mul3A_115, %reduce_sum3A_116 [1] : vector<2048x64xf32> to vector<2048xf32>
    %add3A_118 = arith.addf %reduce_sum3A_117, %sub3A_88 : vector<2048xf32>
    %convert_element_type3A_119 = arith.fptosi %add3A_118 : vector<2048xf32> to vector<2048xi32>
    %swap3A_120 = arith.constant 0 : index
    %swap3A_121 = vector.load %arg3[%swap3A_120] : memref<2048xi32, #tpu.memory_space<vmem>>, vector<2048xi32>
    tpu.vector_store %arg3[%swap3A_120], %convert_element_type3A_119 {strides = array<i32>} : memref<2048xi32, #tpu.memory_space<vmem>>, vector<2048xi32>,
    %iota3A_122 = tpu.iota {dimensions = array<i32: 1>} : vector<1x128xi32>
    %iota3A_123 = vector.shape_cast %iota3A_122 : vector<1x128xi32> to vector<128xi32>
    %sub3A_124 = arith.constant 1 : i32
    %sub3A_125 = arith.subi %convert_element_type3A_109, %sub3A_124 : i32
    %min3A = vector.broadcast %sub3A_125 : i32 to vector<128xi32>
    %min3A_126 = arith.minsi %iota3A_123, %min3A : vector<128xi32>
    %swap3A_127 = arith.constant 0 : index
    %swap3A_128 = vector.load %arg5[%swap3A_127] : memref<128xi32, #tpu.memory_space<vmem>>, vector<128xi32>
    tpu.vector_store %arg5[%swap3A_127], %min3A_126 {strides = array<i32>} : memref<128xi32, #tpu.memory_space<vmem>>, vector<128xi32>,
    %iota3A_129 = tpu.iota {dimensions = array<i32: 0>} : vector<128x64xi32>
    %sub3A_130 = arith.constant 1 : i32
    %sub3A_131 = arith.subi %convert_element_type3A_109, %sub3A_130 : i32
    %min3A_132 = vector.broadcast %sub3A_131 : i32 to vector<128x64xi32>
    %min3A_133 = arith.minsi %iota3A_129, %min3A_132 : vector<128x64xi32>
    %convert_element_type3A_134 = arith.fptosi %squeeze3A : vector<64xf32> to vector<64xi32>
    %broadcast_in_dim3A_135 = vector.shape_cast %convert_element_type3A_134 : vector<64xi32> to vector<1x64xi32>
    %ge3A = vector.broadcast %broadcast_in_dim3A_135 : vector<1x64xi32> to vector<128x64xi32>
    %ge3A_136 = arith.cmpi sge, %min3A_133, %ge3A : vector<128x64xi32>
    %convert_element_type3A_137 = arith.extui %ge3A_136 : vector<128x64xi1> to vector<128x64xi32>
    %reduce_sum3A_138 = arith.constant dense<0> : vector<128xi32>
    %reduce_sum3A_139 = vector.multi_reduction <add>, %convert_element_type3A_137, %reduce_sum3A_138 [1] : vector<128x64xi32> to vector<128xi32>
    %swap3A_140 = arith.constant 0 : index
    %swap3A_141 = vector.load %arg4[%swap3A_140] : memref<128xi32, #tpu.memory_space<vmem>>, vector<128xi32>
    tpu.vector_store %arg4[%swap3A_140], %reduce_sum3A_139 {strides = array<i32>} : memref<128xi32, #tpu.memory_space<vmem>>, vector<128xi32>,
    return
  }
}

module attributes {stable_mosaic.version = 14 : i64} {
  func.func @_ffn_body(%arg0: i32, %arg1: i32, %arg2: memref<128xi32, #tpu.memory_space<smem>>, %arg3: memref<128xi32, #tpu.memory_space<smem>>, %arg4: memref<128x1024xf32, #tpu.memory_space<vmem>>, %arg5: memref<1x1024x1024xf32, #tpu.memory_space<vmem>>, %arg6: memref<1x1x1x1024xf32, #tpu.memory_space<vmem>>, %arg7: memref<1x1024x1024xf32, #tpu.memory_space<vmem>>, %arg8: memref<1x1x1024xf32, #tpu.memory_space<vmem>>, %arg9: memref<1x1024xf32, #tpu.memory_space<vmem>>, %arg10: memref<1x1024xf32, #tpu.memory_space<vmem>>, %arg11: memref<128x1024xf32, #tpu.memory_space<vmem>>, %arg12: memref<128x1024xf32, #tpu.memory_space<vmem>>) attributes {dimension_semantics = [#tpu.dimension_semantics<arbitrary>, #tpu.dimension_semantics<arbitrary>], iteration_bounds = array<i64: 80, 4>, scalar_prefetch = 2 : i64, scratch_operands = 1 : i64, tpu.core_type = #tpu.core_type<tc>, window_params = [{transform_indices = @transform_0, window_bounds = array<i64: 128, 1024>}, {transform_indices = @transform_1, window_bounds = array<i64: 1, 1024, 1024>}, {transform_indices = @transform_2, window_bounds = array<i64: 1, 1, 1, 1024>}, {transform_indices = @transform_3, window_bounds = array<i64: 1, 1024, 1024>}, {transform_indices = @transform_4, window_bounds = array<i64: 1, 1, 1024>}, {pipeline_mode = #tpu.pipeline_mode<synchronous>, transform_indices = @transform_5, window_bounds = array<i64: 1, 1024>}, {pipeline_mode = #tpu.pipeline_mode<synchronous>, transform_indices = @transform_6, window_bounds = array<i64: 1, 1024>}, {transform_indices = @transform_7, window_bounds = array<i64: 128, 1024>}]} {
    %eq3A = arith.constant 0 : i32
    %eq3A_0 = arith.cmpi eq, %arg0, %eq3A : i32
    %get3A = arith.index_cast %arg0 : i32 to index
    %get3A_1 = memref.load %arg3[%get3A] : memref<128xi32, #tpu.memory_space<smem>>
    %sub3A = arith.constant 1 : i32
    %sub3A_2 = arith.subi %arg0, %sub3A : i32
    %max3A = arith.constant 0 : i32
    %max3A_3 = arith.maxsi %sub3A_2, %max3A : i32
    %get3A_4 = arith.index_cast %max3A_3 : i32 to index
    %get3A_5 = memref.load %arg3[%get3A_4] : memref<128xi32, #tpu.memory_space<smem>>
    %ne3A = arith.cmpi ne, %get3A_1, %get3A_5 : i32
    %or3A = arith.ori %eq3A_0, %ne3A : i1
    %convert_element_type3A = arith.extui %or3A : i1 to i32
    %cond3A = arith.constant 0 : i32
    %cond3A_6 = arith.cmpi ne, %convert_element_type3A, %cond3A : i32
    scf.if %cond3A_6 {
      %get3A_7 = arith.constant 0 : index
      %get3A_8 = arith.constant 0 : index
      %get3A_9 = vector.load %arg4[%get3A_7, %get3A_8] : memref<128x1024xf32, #tpu.memory_space<vmem>>, vector<128x1024xf32>
      %get3A_10 = arith.constant 0 : index
      %get3A_11 = arith.constant 0 : index
      %get3A_12 = arith.constant 0 : index
      %get3A_13 = vector.load %arg5[%get3A_10, %get3A_11, %get3A_12] : memref<1x1024x1024xf32, #tpu.memory_space<vmem>>, vector<1x1024x1024xf32>
      %get3A_14 = vector.shape_cast %get3A_13 : vector<1x1024x1024xf32> to vector<1024x1024xf32>
      %dot_general3A = arith.constant dense<0.000000e+00> : vector<128x1024xf32>
      %dot_general3A_15 = tpu.matmul %get3A_9, %get3A_14, %dot_general3A {dimension_numbers = #tpu.dot_dimension_numbers<[1], [0], [0], [1], [0, 0, 1, 1], [], []>, transpose_lhs_hint = false} : vector<128x1024xf32>, vector<1024x1024xf32>, vector<128x1024xf32> -> vector<128x1024xf32>
      %get3A_16 = arith.constant 0 : index
      %get3A_17 = arith.constant 0 : index
      %get3A_18 = arith.constant 0 : index
      %get3A_19 = arith.constant 0 : index
      %get3A_20 = vector.load %arg6[%get3A_16, %get3A_17, %get3A_18, %get3A_19] : memref<1x1x1x1024xf32, #tpu.memory_space<vmem>>, vector<1x1x1x1024xf32>
      %get3A_21 = vector.shape_cast %get3A_20 : vector<1x1x1x1024xf32> to vector<1x1024xf32>
      %add3A = vector.broadcast %get3A_21 : vector<1x1024xf32> to vector<128x1024xf32>
      %add3A_22 = arith.addf %dot_general3A_15, %add3A : vector<128x1024xf32>
      %mul3A = arith.constant 5.000000e-01 : f32
      %mul3A_23 = vector.broadcast %mul3A : f32 to vector<128x1024xf32>
      %mul3A_24 = arith.mulf %add3A_22, %mul3A_23 : vector<128x1024xf32>
      %mul3A_25 = arith.constant 0.707106769 : f32
      %mul3A_26 = vector.broadcast %mul3A_25 : f32 to vector<128x1024xf32>
      %mul3A_27 = arith.mulf %add3A_22, %mul3A_26 : vector<128x1024xf32>
      %erf3A = math.erf %mul3A_27 : vector<128x1024xf32>
      %add3A_28 = arith.constant 1.000000e+00 : f32
      %add3A_29 = vector.broadcast %add3A_28 : f32 to vector<128x1024xf32>
      %add3A_30 = arith.addf %add3A_29, %erf3A : vector<128x1024xf32>
      %mul3A_31 = arith.mulf %mul3A_24, %add3A_30 : vector<128x1024xf32>
      %get3A_32 = arith.constant 0 : index
      %get3A_33 = arith.constant 0 : index
      %get3A_34 = arith.constant 0 : index
      %get3A_35 = vector.load %arg7[%get3A_32, %get3A_33, %get3A_34] : memref<1x1024x1024xf32, #tpu.memory_space<vmem>>, vector<1x1024x1024xf32>
      %get3A_36 = vector.shape_cast %get3A_35 : vector<1x1024x1024xf32> to vector<1024x1024xf32>
      %dot_general3A_37 = arith.constant dense<0.000000e+00> : vector<128x1024xf32>
      %dot_general3A_38 = tpu.matmul %mul3A_31, %get3A_36, %dot_general3A_37 {dimension_numbers = #tpu.dot_dimension_numbers<[1], [0], [0], [1], [0, 0, 1, 1], [], []>, transpose_lhs_hint = false} : vector<128x1024xf32>, vector<1024x1024xf32>, vector<128x1024xf32> -> vector<128x1024xf32>
      %eq3A_39 = arith.constant 0 : i32
      %eq3A_40 = arith.cmpi eq, %arg1, %eq3A_39 : i32
      %convert_element_type3A_41 = arith.extui %eq3A_40 : i1 to i32
      %cond3A_42 = arith.constant 0 : i32
      %cond3A_43 = arith.cmpi ne, %convert_element_type3A_41, %cond3A_42 : i32
      scf.if %cond3A_43 {
        %get3A_55 = arith.constant 0 : index
        %get3A_56 = arith.constant 0 : index
        %get3A_57 = arith.constant 0 : index
        %get3A_58 = vector.load %arg8[%get3A_55, %get3A_56, %get3A_57] : memref<1x1x1024xf32, #tpu.memory_space<vmem>>, vector<1x1x1024xf32>
        %get3A_59 = vector.shape_cast %get3A_58 : vector<1x1x1024xf32> to vector<1x1024xf32>
        %add3A_60 = vector.broadcast %get3A_59 : vector<1x1024xf32> to vector<128x1024xf32>
        %add3A_61 = arith.addf %get3A_9, %add3A_60 : vector<128x1024xf32>
        %swap3A_62 = arith.constant 0 : index
        %swap3A_63 = arith.constant 0 : index
        %swap3A_64 = vector.load %arg12[%swap3A_62, %swap3A_63] : memref<128x1024xf32, #tpu.memory_space<vmem>>, vector<128x1024xf32>
        tpu.vector_store %arg12[%swap3A_62, %swap3A_63], %add3A_61 {strides = array<i32>} : memref<128x1024xf32, #tpu.memory_space<vmem>>, vector<128x1024xf32>,
      } else {
      }
      %get3A_44 = arith.constant 0 : index
      %get3A_45 = arith.constant 0 : index
      %get3A_46 = vector.load %arg12[%get3A_44, %get3A_45] : memref<128x1024xf32, #tpu.memory_space<vmem>>, vector<128x1024xf32>
      %add3A_47 = arith.addf %get3A_46, %dot_general3A_38 : vector<128x1024xf32>
      %swap3A = arith.constant 0 : index
      %swap3A_48 = arith.constant 0 : index
      %swap3A_49 = vector.load %arg12[%swap3A, %swap3A_48] : memref<128x1024xf32, #tpu.memory_space<vmem>>, vector<128x1024xf32>
      tpu.vector_store %arg12[%swap3A, %swap3A_48], %add3A_47 {strides = array<i32>} : memref<128x1024xf32, #tpu.memory_space<vmem>>, vector<128x1024xf32>,
      %eq3A_50 = arith.constant 3 : i32
      %eq3A_51 = arith.cmpi eq, %arg1, %eq3A_50 : i32
      %convert_element_type3A_52 = arith.extui %eq3A_51 : i1 to i32
      %cond3A_53 = arith.constant 0 : i32
      %cond3A_54 = arith.cmpi ne, %convert_element_type3A_52, %cond3A_53 : i32
      scf.if %cond3A_54 {
        %get3A_55 = arith.constant 0 : index
        %get3A_56 = arith.constant 0 : index
        %get3A_57 = vector.load %arg12[%get3A_55, %get3A_56] : memref<128x1024xf32, #tpu.memory_space<vmem>>, vector<128x1024xf32>
        %reduce_sum3A = arith.constant dense<0.000000e+00> : vector<128xf32>
        %reduce_sum3A_58 = vector.multi_reduction <add>, %get3A_57, %reduce_sum3A [1] : vector<128x1024xf32> to vector<128xf32>
        %broadcast_in_dim3A = vector.shape_cast %reduce_sum3A_58 : vector<128xf32> to vector<128x1xf32>
        %div3A = arith.constant 1.024000e+03 : f32
        %div3A_59 = vector.broadcast %div3A : f32 to vector<128x1xf32>
        %div3A_60 = arith.divf %broadcast_in_dim3A, %div3A_59 : vector<128x1xf32>
        %sub3A_61 = vector.broadcast %div3A_60 : vector<128x1xf32> to vector<128x1024xf32>
        %sub3A_62 = arith.subf %get3A_57, %sub3A_61 : vector<128x1024xf32>
        %integer_pow3A = arith.mulf %sub3A_62, %sub3A_62 : vector<128x1024xf32>
        %reduce_sum3A_63 = arith.constant dense<0.000000e+00> : vector<128xf32>
        %reduce_sum3A_64 = vector.multi_reduction <add>, %integer_pow3A, %reduce_sum3A_63 [1] : vector<128x1024xf32> to vector<128xf32>
        %broadcast_in_dim3A_65 = vector.shape_cast %reduce_sum3A_64 : vector<128xf32> to vector<128x1xf32>
        %div3A_66 = arith.constant 1.024000e+03 : f32
        %div3A_67 = vector.broadcast %div3A_66 : f32 to vector<128x1xf32>
        %div3A_68 = arith.divf %broadcast_in_dim3A_65, %div3A_67 : vector<128x1xf32>
        %sub3A_69 = vector.broadcast %div3A_60 : vector<128x1xf32> to vector<128x1024xf32>
        %sub3A_70 = arith.subf %get3A_57, %sub3A_69 : vector<128x1024xf32>
        %add3A_71 = arith.constant 9.99999974E-6 : f32
        %add3A_72 = vector.broadcast %add3A_71 : f32 to vector<128x1xf32>
        %add3A_73 = arith.addf %div3A_68, %add3A_72 : vector<128x1xf32>
        %sqrt3A = math.sqrt %add3A_73 : vector<128x1xf32>
        %div3A_74 = vector.broadcast %sqrt3A : vector<128x1xf32> to vector<128x1024xf32>
        %div3A_75 = arith.divf %sub3A_70, %div3A_74 : vector<128x1024xf32>
        %get3A_76 = arith.constant 0 : index
        %get3A_77 = arith.constant 0 : index
        %get3A_78 = vector.load %arg9[%get3A_76, %get3A_77] : memref<1x1024xf32, #tpu.memory_space<vmem>>, vector<1x1024xf32>
        %mul3A_79 = vector.broadcast %get3A_78 : vector<1x1024xf32> to vector<128x1024xf32>
        %mul3A_80 = arith.mulf %div3A_75, %mul3A_79 : vector<128x1024xf32>
        %get3A_81 = arith.constant 0 : index
        %get3A_82 = arith.constant 0 : index
        %get3A_83 = vector.load %arg10[%get3A_81, %get3A_82] : memref<1x1024xf32, #tpu.memory_space<vmem>>, vector<1x1024xf32>
        %add3A_84 = vector.broadcast %get3A_83 : vector<1x1024xf32> to vector<128x1024xf32>
        %add3A_85 = arith.addf %mul3A_80, %add3A_84 : vector<128x1024xf32>
        %swap3A_86 = arith.constant 0 : index
        %swap3A_87 = arith.constant 0 : index
        %swap3A_88 = vector.load %arg11[%swap3A_86, %swap3A_87] : memref<128x1024xf32, #tpu.memory_space<vmem>>, vector<128x1024xf32>
        tpu.vector_store %arg11[%swap3A_86, %swap3A_87], %add3A_85 {strides = array<i32>} : memref<128x1024xf32, #tpu.memory_space<vmem>>, vector<128x1024xf32>,
      } else {
      }
    } else {
    }
    return
  }
  func.func @transform_0(%arg0: i32, %arg1: i32, %arg2: memref<128xi32, #tpu.memory_space<smem>>, %arg3: memref<128xi32, #tpu.memory_space<smem>>) -> (i32, i32) {
    %get3A = arith.index_cast %arg0 : i32 to index
    %get3A_0 = memref.load %arg3[%get3A] : memref<128xi32, #tpu.memory_space<smem>>
    %c0_i32 = arith.constant 0 : i32
    %c0_i32_1 = arith.constant 0 : i32
    return %get3A_0, %c0_i32 : i32, i32
  }
  func.func @transform_1(%arg0: i32, %arg1: i32, %arg2: memref<128xi32, #tpu.memory_space<smem>>, %arg3: memref<128xi32, #tpu.memory_space<smem>>) -> (i32, i32, i32) {
    %get3A = arith.index_cast %arg0 : i32 to index
    %get3A_0 = memref.load %arg2[%get3A] : memref<128xi32, #tpu.memory_space<smem>>
    %c0_i32 = arith.constant 0 : i32
    %c0_i32_1 = arith.constant 0 : i32
    return %get3A_0, %c0_i32, %arg1 : i32, i32, i32
  }
  func.func @transform_2(%arg0: i32, %arg1: i32, %arg2: memref<128xi32, #tpu.memory_space<smem>>, %arg3: memref<128xi32, #tpu.memory_space<smem>>) -> (i32, i32, i32, i32) {
    %get3A = arith.index_cast %arg0 : i32 to index
    %get3A_0 = memref.load %arg2[%get3A] : memref<128xi32, #tpu.memory_space<smem>>
    %c0_i32 = arith.constant 0 : i32
    %c0_i32_1 = arith.constant 0 : i32
    %c0_i32_2 = arith.constant 0 : i32
    return %get3A_0, %arg1, %c0_i32, %c0_i32_1 : i32, i32, i32, i32
  }
  func.func @transform_3(%arg0: i32, %arg1: i32, %arg2: memref<128xi32, #tpu.memory_space<smem>>, %arg3: memref<128xi32, #tpu.memory_space<smem>>) -> (i32, i32, i32) {
    %get3A = arith.index_cast %arg0 : i32 to index
    %get3A_0 = memref.load %arg2[%get3A] : memref<128xi32, #tpu.memory_space<smem>>
    %c0_i32 = arith.constant 0 : i32
    %c0_i32_1 = arith.constant 0 : i32
    return %get3A_0, %arg1, %c0_i32 : i32, i32, i32
  }
  func.func @transform_4(%arg0: i32, %arg1: i32, %arg2: memref<128xi32, #tpu.memory_space<smem>>, %arg3: memref<128xi32, #tpu.memory_space<smem>>) -> (i32, i32, i32) {
    %get3A = arith.index_cast %arg0 : i32 to index
    %get3A_0 = memref.load %arg2[%get3A] : memref<128xi32, #tpu.memory_space<smem>>
    %c0_i32 = arith.constant 0 : i32
    %c0_i32_1 = arith.constant 0 : i32
    %c0_i32_2 = arith.constant 0 : i32
    return %get3A_0, %c0_i32, %c0_i32_1 : i32, i32, i32
  }
  func.func @transform_5(%arg0: i32, %arg1: i32, %arg2: memref<128xi32, #tpu.memory_space<smem>>, %arg3: memref<128xi32, #tpu.memory_space<smem>>) -> (i32, i32) {
    %c0_i32 = arith.constant 0 : i32
    %c0_i32_0 = arith.constant 0 : i32
    %c0_i32_1 = arith.constant 0 : i32
    return %c0_i32, %c0_i32_0 : i32, i32
  }
  func.func @transform_6(%arg0: i32, %arg1: i32, %arg2: memref<128xi32, #tpu.memory_space<smem>>, %arg3: memref<128xi32, #tpu.memory_space<smem>>) -> (i32, i32) {
    %c0_i32 = arith.constant 0 : i32
    %c0_i32_0 = arith.constant 0 : i32
    %c0_i32_1 = arith.constant 0 : i32
    return %c0_i32, %c0_i32_0 : i32, i32
  }
  func.func @transform_7(%arg0: i32, %arg1: i32, %arg2: memref<128xi32, #tpu.memory_space<smem>>, %arg3: memref<128xi32, #tpu.memory_space<smem>>) -> (i32, i32) {
    %get3A = arith.index_cast %arg0 : i32 to index
    %get3A_0 = memref.load %arg3[%get3A] : memref<128xi32, #tpu.memory_space<smem>>
    %c0_i32 = arith.constant 0 : i32
    %c0_i32_1 = arith.constant 0 : i32
    return %get3A_0, %c0_i32 : i32, i32
  }
}

</mosaic_0001>

<sc_bundles>
// kernel: kernel.6.cloned.1.call-start
scs
__scs_entry_jumppad:
0x0: {  	(pc) =	sbr.rel $0x88, $3  }
0x1: {  	(tag) =	ssettag $0x0;
	lr =	simm.s32 $0x1  }
0x2: {  	[smem:$0x3F98] =	sst lr;
	_ =	strace $0xD0000000  }
0x3: {  	_ = 	snop  }
0x4: {  	_ = 	snop  }
0x5: {  	_ = 	snop  }
0x6: {  	_ = 	snop  }
0x7: {  	_ = 	snop  }
__scs_overlays_trampoline_lowered:
0x8: {  	[smem:$0x3FA7] =	sst s0  }
0x9: {  	[smem:$0x3FA8] =	sst s1  }
0xa: {  	[smem:$0x3FA9] =	sst s2  }
0xb: {  	[smem:$0x3FAA] =	sst s3  }
0xc: {  	[smem:$0x3FAB] =	sst s4  }
0xd: {  	[smem:$0x3FAC] =	sst s5  }
0xe: {  	[smem:$0x3FAD] =	sst s6  }
0xf: {  	[smem:$0x3FAE] =	sst s7  }
0x10: {  	[smem:$0x3FAF] =	sst s8  }
0x11: {  	[smem:$0x3FB0] =	sst s9;
	s0 =	simm.s32 @!p0 $0x0  }
0x12: {  	s1 =	sld [smem:$0x3F96];
	s0 =	simm.s32 @p0 $0x1  }
0x13: {  	[smem:$0x3FB1] =	sst s0;
	s0 =	simm.s32 @!p1 $0x0  }
0x14: {  	s2 =	sld [smem:$0x3F95];
	s0 =	simm.s32 @p1 $0x1  }
0x15: {  	[smem:$0x3FB2] =	sst s0;
	s0 =	simm.s32 @!p2 $0x0  }
0x16: {  	s3 =	sld [smem:$0x3FDB];
	s0 =	simm.s32 @p2 $0x1  }
0x17: {  	s4 =	simm.s32 $0x1BF5;
	[smem:$0x3FB4] =	sst s0  }
0x18: {  	s0 =	sld [smem:$0x3F97];
	_ =	swait.ge [sflag:s4], $0x0  }
0x19: {  	s7 =	sld [smem:$0x3F98]  }
0x1a: {  	s8 =	sadd.s32 $0xFFFFE003, lr  }
0x1b: {  	s9 =	sadd.s32 $0xFFFFFEF7, lr;
	s5 =	simm.s32 $0xFFFFFFFF;
	p2 =	slt.u32 s8, $0xFFFFF086  }
0x1c: {  	p1 =	slt.u32 s9, $0xF7A;
	s5 =	simm.s32 @!p2 $0x0  }
0x1d: {  	s5 =	simm.s32 @p1 $0x1;
	p0 =	seq.s32 s7, s2  }
0x1e: {  	s7 =	smul.u32 @!p0 $0xF7A, s2;
	p2 =	seq.s32 @!p0 s5, $0x0  }
0x1f: {  	s9 =	smul.u32 $0xF7A, s1;
	s8 =	simm.s32 @!p0 $0x1BF5;
	p2 =	por !p2, p0  }
0x20: {  	[sflag:s8] =	ssyncset.s32 @!p0 $0xFFFFF086;
	s6 =	sadd.s32 @!p0 s3, s7;
	s7 =	simm.s32 @!p0 $0x108  }
0x21: {  	s3 =	sadd.s32 s3, s9;
	s6 =	sadd.s32 @!p0 $0x88, s6;
	s7 =	simm.s32 @p2 $0x1082  }
0x22: {  	[simem:s7], [sflag:s8] =	dma.local @!p0 [hbm:s6], $0xF7A  }
0x23: {  	s9 =	sor.u32 $0xD0000000, s2;
	s6 =	simm.s32 $0x108;
	_ =	swait.ge @!p0 [sflag:s8], $0x0  }
0x24: {  	s3 =	sadd.s32 $0x88, s3;
	s6 =	simm.s32 @!p1 $0x1082;
	[sflag:s4] =	ssyncset.s32 $0xFFFFF086  }
0x25: {  	[simem:s6], [sflag:s4] =	dma.local [hbm:s3], $0xF7A  }
0x26: {  	[smem:$0x3F98] =	sst s1;
	(tag) =	ssettag s2;
	_ =	strace s9  }
0x27: {  	s1 =	sld [smem:$0x3FA8]  }
0x28: {  	s2 =	sld [smem:$0x3FA9]  }
0x29: {  	s4 =	sld [smem:$0x3FAB]  }
0x2a: {  	p0 =	seq.s32 s5, $0x0;
	s5 =	sld [smem:$0x3FAC]  }
0x2b: {  	s6 =	sld [smem:$0x3FAD]  }
0x2c: {  	s7 =	sld [smem:$0x3FAE]  }
0x2d: {  	s3 =	simm.s32 $0x108;
	s8 =	sld [smem:$0x3FAF]  }
0x2e: {  	s3 =	simm.s32 @!p0 $0x1082;
	s9 =	sld [smem:$0x3FB0]  }
0x2f: {  	lr =	sadd.s32 s0, s3;
	s0 =	sld [smem:$0x3FA7]  }
0x30: {  	s3 =	sld [smem:$0x3FAA]  }
0x31: {  	[smem:$0x3FB3] =	sst s10  }
0x32: {  	s10 =	sld [smem:$0x3FB1];
	_ =	sdelay $0x3  }
0x33: {  	p0 =	seq.s32 s10, $0x1;
	s10 =	sld [smem:$0x3FB3];
	_ =	sdelay $0x3  }
0x34: {  	[smem:$0x3FB3] =	sst s10  }
0x35: {  	s10 =	sld [smem:$0x3FB2];
	_ =	sdelay $0x3  }
0x36: {  	p1 =	seq.s32 s10, $0x1;
	s10 =	sld [smem:$0x3FB3];
	_ =	sdelay $0x3  }
0x37: {  	[smem:$0x3FB3] =	sst s10  }
0x38: {  	s10 =	sld [smem:$0x3FB4]  }
0x39: {  	_ = 	snop;
	(pc) =	sbr.ind lr, $3  }
0x3a: {  	_ = 	snop  }
0x3b: {  	_ = 	snop  }
0x3c: {  	p2 =	seq.s32 s10, $0x1;
	s10 =	sld [smem:$0x3FB3]  }
0x3d: {  	_ =	shalt  }
0x3e: {  	_ =	shalt  }
0x3f: {  	_ =	shalt  }
0x40: {  	_ =	shalt  }
0x41: {  	_ =	shalt  }
0x42: {  	_ =	shalt  }
0x43: {  	_ =	shalt  }
0x44: {  	_ =	shalt  }
0x45: {  	_ =	shalt  }
0x46: {  	_ =	shalt  }
0x47: {  	_ =	shalt  }
0x48: {  	_ =	shalt  }
0x49: {  	_ =	shalt  }
0x4a: {  	_ =	shalt  }
0x4b: {  	_ =	shalt  }
0x4c: {  	_ =	shalt  }
0x4d: {  	_ =	shalt  }
0x4e: {  	_ =	shalt  }
0x4f: {  	_ =	shalt  }
0x50: {  	_ =	shalt  }
0x51: {  	_ =	shalt  }
0x52: {  	_ =	shalt  }
0x53: {  	_ =	shalt  }
0x54: {  	_ =	shalt  }
0x55: {  	_ =	shalt  }
0x56: {  	_ =	shalt  }
0x57: {  	_ =	shalt  }
0x58: {  	_ =	shalt  }
0x59: {  	_ =	shalt  }
0x5a: {  	_ =	shalt  }
0x5b: {  	_ =	shalt  }
0x5c: {  	_ =	shalt  }
0x5d: {  	_ =	shalt  }
0x5e: {  	_ =	shalt  }
0x5f: {  	_ =	shalt  }
0x60: {  	_ =	shalt  }
0x61: {  	_ =	shalt  }
0x62: {  	_ =	shalt  }
0x63: {  	_ =	shalt  }
0x64: {  	_ =	shalt  }
0x65: {  	_ =	shalt  }
0x66: {  	_ =	shalt  }
0x67: {  	_ =	shalt  }
0x68: {  	_ =	shalt  }
0x69: {  	_ =	shalt  }
0x6a: {  	_ =	shalt  }
0x6b: {  	_ =	shalt  }
0x6c: {  	_ =	shalt  }
0x6d: {  	_ =	shalt  }
0x6e: {  	_ =	shalt  }
0x6f: {  	_ =	shalt  }
0x70: {  	_ =	shalt  }
0x71: {  	_ =	shalt  }
0x72: {  	_ =	shalt  }
0x73: {  	_ =	shalt  }
0x74: {  	_ =	shalt  }
0x75: {  	_ =	shalt  }
0x76: {  	_ =	shalt  }
0x77: {  	_ =	shalt  }
0x78: {  	_ =	shalt  }
0x79: {  	_ =	shalt  }
0x7a: {  	_ =	shalt  }
0x7b: {  	_ =	shalt  }
0x7c: {  	_ =	shalt  }
0x7d: {  	_ =	shalt  }
0x7e: {  	_ =	shalt  }
0x7f: {  	_ =	shalt  }
0x80: {  	_ =	shalt  }
0x81: {  	_ =	shalt  }
0x82: {  	_ =	shalt  }
0x83: {  	_ =	shalt  }
0x84: {  	_ =	shalt  }
0x85: {  	_ =	shalt  }
0x86: {  	_ =	shalt  }
0x87: {  	_ =	shalt  }
.Lfunc_end0:
.L_simem_size_0:
called_computation_lowered:
.L_overlay_start_0:
0x88: {  	s2 =	sld [smem:$0x3FD9]  }
0x89: {  	s3 =	sld [smem:$0x3FFE];
	_ =	sdelay $0x1  }
0x8a: {  	s1 =	srdreg.scid  }
0x8b: {  	s0 =	sand.u32 $0x1, s1  }
0x8c: {  	s17 =	sshll.u32 s0, $0xA;
	s2 =	sadd.s32 s3, s2  }
0x8d: {  	s2 =	sadd.s32 s2, s17  }
0x8e: {  	[smem:$0x3FBF] =	sst s2  }
0x8f: {  	_ = 	snop  }
0x90: {  	s2 =	sld [smem:$0x3FC9];
	(tm) =	ssettm $0x1  }
0x91: {  	s18 =	sld [smem:$0x3FFB];
	_ =	sdelay $0x3  }
0x92: {  	_ =	strace s18  }
0x93: {  	s3 =	sld [smem:$0x3FFC];
	_ =	sdelay $0x3  }
0x94: {  	_ =	strace s3  }
0x95: {  	s3 =	sld [smem:$0x3FFD];
	_ =	sdelay $0x3  }
0x96: {  	_ =	strace s3  }
0x97: {  	_ =	strace $0x8FFFFFFF  }
0x98: {  	s19 =	sld [smem:$0x3FDB];
	_ =	sdelay $0x1  }
0x99: {  	s4 =	simm.s32 $_scs_section_size  }
0x9a: {  	s5 =	simm.s32 $_size__tile_overlayer_lowered;
	s6 =	simm.s32 $_tile_overlayer_lowered  }
0x9b: {  	s22 =	simm.s32 $0x1BFF;
	s21 =	sshll.u32 s6, $0x1;
	s3 =	sadd.s32 s4, s19  }
0x9c: {  	s7 =	simm.s32 $0x0;
	s20 =	sshll.u32 s5, $0x1;
	s5 =	sadd.s32 s21, s3  }
0x9d: {  	[timem:s7], [sflag:s22] =	dma.local [hbm:s5], s20  }
0x9e: {  	_ =	swait.ge [sflag:s22], s20  }
0x9f: {  	s4 =	ssub.s32 $0x0, s20;
	[sflag:s22] =	ssyncset.done $0x0  }
0xa0: {  	[sflag:s22] =	ssyncadd.s32 s4;
	_ =	sdelay $0x1  }
0xa1: {  	s23 =	simm.s32 $0x1B8B  }
0xa2: {  	_ =	swait.ge [sflag:s23], $0x1  }
0xa3: {  	[sflag:s23] =	ssyncset.done $0x0  }
0xa4: {  	s25 =	simm.s32 $0x1B8E;
	s24 =	sld [smem:$0x3FFE];
	[sflag:s23] =	ssyncadd.s32 $0xFFFFFFFF  }
0xa5: {  	s26 =	simm.s32 $execute0_lowered;
	[smem:$0x3FD2] =	sst s25  }
0xa6: {  	s5 =	sshll.u32 s26, $0x1;
	_ =	strace $0x80000046;
	[dreg:$0x1] =	wrdreg $0xFFFFFFFF  }
0xa7: {  	s28 =	simm.s32 $_size_execute0_lowered;
	s3 =	sadd.s32 s3, s5;
	[dreg:$0x0] =	wrdreg $0x0  }
0xa8: {  	s5 =	sshll.u32 s28, $0x1;
	[dreg:$0x2] =	wrdreg s3  }
0xa9: {  	[dreg:$0x3] =	wrdreg s5  }
0xaa: {  	[dreg:$0x4] =	wrdreg $0xC0  }
0xab: {  	_ =	task [dreg:s7], $0x5FFFF  }
0xac: {  	[dreg:$0x1] =	wrdreg $0xFFFFFFFF  }
0xad: {  	[dreg:$0x0] =	wrdreg $0x60  }
0xae: {  	[dreg:$0x2] =	wrdreg s2  }
0xaf: {  	[dreg:$0x3] =	wrdreg s24  }
0xb0: {  	[dreg:$0x4] =	wrdreg $0x9  }
0xb1: {  	_ =	task.clear_ibuf [dreg:s7], $0x5FFFF;
	_ =	strace $0x90000046  }
0xb2: {  	s29 =	simm.s32 $0x9;
	_ =	strace $0x80000048  }
0xb3: {  	_ =	swait.ge [sflag:s29], $0x1  }
0xb4: {  	[sflag:s29] =	ssyncadd.s32 $0xFFFFFFFF  }
0xb5: {  	_ =	strace $0x90000048  }
0xb6: {  	_ =	sfence  }
0xb7: {  	s30 =	sld [smem:$0x0];
	_ =	sdelay $0x2  }
0xb8: {  	s31 =	sshll.u32 s1, $0xD;
	s1 =	sshrl.u32 s1, $0x2  }
0xb9: {  	s3 =	sand.u32 $0x4000, s31;
	s1 =	sadd.s32 s1, s30  }
0xba: {  	s0 =	sor.u32 s3, s0;
	s1 =	sshll.u32 s1, $0x11  }
0xbb: {  	s0 =	sor.u32 s1, s0  }
0xbc: {  	s0 =	sadd.s32 $0x8F2B, s0  }
0xbd: {  	[sflag:s0] =	ssyncadd.remote.s32 $0x1  }
0xbe: {  	_ =	sfence.sel $0xFFFF  }
0xbf: {  	[dreg:$0x0] =	wrdreg $0xFFFFFFFF;
	(pc) =	sbr.abs _section_cstart, $3  }
0xc0: {  	[dreg:$0x1] =	wrdreg $0xFFFFFFFF  }
0xc1: {  	_ =	task.clear_ibuf [dreg:s7], $0x2FFFF;
	_ =	strace $0x9FFFFFFF  }
0xc2: {  	(tm) =	ssettm $0x7FFFFFFF  }
0xc3: {  	_ =	shalt  }
tec
execute0_lowered:
.L_overlay_start_1:
0x0: {  	(tag) =	ssettag $0x1  }
0x1: {  	s1 =	srdreg.scid  }
0x2: {  	s0 =	stileid.u32;
	s3 =	rddreg [dreg:$0x0]  }
0x3: {  	s6 =	rddreg [dreg:$0x1];
	s18 =	simm.s32 $0x880;
	s19 =	simm.s32 $0x1080  }
0x4: {  	s20 =	simm.s32 $0x1880;
	s22 =	simm.s32 $0x2080;
	s23 =	simm.s32 $0x2880  }
0x5: {  	s7 =	simm.s32 $0x3080;
	s24 =	simm.s32 $0x3880;
	s8 =	simm.s32 $0x4080  }
0x6: {  	s25 =	simm.s32 $0x4880;
	s26 =	simm.s32 $0x5080;
	s1 =	sand.u32 $0x1, s1  }
0x7: {  	s9 =	simm.s32 $0x80;
	s2 =	sshll.u32 s0, $0x7;
	s4 =	sshll.u32 s1, $0x6  }
0x8: {  	s11 =	simm.s32 $0x6080;
	s4 =	sor.u32 s4, s2;
	s2 =	simm.s32 $0x0  }
0x9: {  	s12 =	simm.s32 $0x6880;
	s13 =	simm.s32 $0x7080;
	[smem:$0x7FF] =	sst s2  }
0xa: {  	s14 =	simm.s32 $0x7880;
	_ =	strace $0x80000047;
	[dreg:$0x5] =	wrdreg s18  }
0xb: {  	s15 =	simm.s32 $0x8080;
	s16 =	simm.s32 $0x8880;
	[dreg:$0x6] =	wrdreg s19  }
0xc: {  	s17 =	simm.s32 $0x9080;
	s28 =	simm.s32 $0xE080;
	[dreg:$0x7] =	wrdreg s20  }
0xd: {  	s29 =	simm.s32 $0xE880;
	s30 =	simm.s32 $0xF080;
	[dreg:$0x8] =	wrdreg s22  }
0xe: {  	s31 =	simm.s32 $0xF880;
	s1 =	ssub.s32 $0x2, s1;
	[dreg:$0x9] =	wrdreg s23  }
0xf: {  	s21 =	sshrl.u32 s1, $0x1;
	s5 =	sshrl.u32 s4, $0x3;
	[dreg:$0xa] =	wrdreg s7  }
0x10: {  	s4 =	sshll.u32 s4, $0x7;
	s1 =	ssub.s32 s1, s21;
	[dreg:$0xb] =	wrdreg s24  }
0x11: {  	s21 =	simm.s32 $0xB080;
	s5 =	sadd.s32 s5, s6;
	[dreg:$0xc] =	wrdreg s8  }
0x12: {  	s3 =	sadd.s32 s3, s4;
	s4 =	sadd.s32 $0x1B00, s6;
	[dreg:$0xd] =	wrdreg s25  }
0x13: {  	s7 =	smax.u32 s1, $0x1;
	s8 =	simm.s32 $0x2;
	[dreg:$0xe] =	wrdreg s26  }
0x14: {  	s18 =	simm.s32 $0x9880;
	s19 =	simm.s32 $0xA080;
	s20 =	simm.s32 $0xA880  }
0x15: {  	s22 =	simm.s32 $0xB880;
	s23 =	simm.s32 $0xC080;
	s24 =	simm.s32 $0xC880  }
0x16: {  	v2 =	vlaneseq.u32;
	s25 =	simm.s32 $0xD080;
	s26 =	simm.s32 $0xD880;
	s1 =	simm.s32 $0x1  }
0x17: {  	vm0 =	vmmov $0xffff;
	v1 =	vshrl.u32 v2, $0x3;
	s5 =	sadd.s32 $0x1800, s5;
	[dreg:$0x4] =	wrdreg s3;
	s3 =	sadd.s32 $0x1A00, s6  }
0x18: {  	v0 =	vand.u32 $0x7, v2;
	v2 =	vor.u32 $0x8, v2;
	v1 =	vmul.u32 $0x8, v1;
	[dreg:$0x3] =	wrdreg s5;
	s5 =	sadd.s32 $0x1C00, s6;
	s6 =	sadd.s32 $0x1D00, s6  }
.LBB2_1:
0x19: {  	s0 =	rddreg [dreg:$0x3]  }
0x1a: {  	[tilespmem:s2], [sflag:$0x2] =	stream.linear.gather [hbm4b:s0+s2], $0x40, $0x38;
	[tilespmem:$0x10080] =	vst v63  }
0x1b: {  	_ =	swait.ge [sflag:s8], $0x40  }
0x1c: {  	[sflag:s8] =	ssyncset.done $0x0  }
0x1d: {  	s10 =	rddreg [dreg:$0x4];
	[sflag:s8] =	ssyncadd.s32 $0xFFFFFFC0  }
0x1e: {  	[tilespmem:s9], [sflag:$0x2] =	stream.linear.gather [hbm4b:s10+s2], $0x10000, $0x38;
	[tilespmem:$0x10080] =	vst v63  }
0x1f: {  	_ =	swait.ge [sflag:s8], $0x10000  }
0x20: {  	[sflag:s8] =	ssyncset.done $0x0  }
0x21: {  	[sflag:s8] =	ssyncadd.s32 $0xFFFF0000  }
0x22: {  	v3 =	vld [tilespmem:$0x0];
	_ =	sdelay $0x4  }
0x23: {  	v4 =	vshll.u32 v3, $0x3  }
0x24: {  	v3 =	vand.u32 $0x7, v3;
	v4 =	vand.u32 $0xFFFFFFC0, v4  }
0x25: {  	v3 =	vor.u32 v3, v4  }
0x26: {  	v4 =	vperm.xlane v3, v0;
	_ =	sdelay $0x1  }
0x27: {  	v4 =	vadd.s32 v1, v4;
	_ =	sdelay $0x4  }
0x28: {  	[hbm4b:s3+s2] =	stream.indirect_vreg.scatter [tilespmem:s9], [sflag:$0x1], $0x80, v4, vm0, $0xb8;
	[tilespmem:$0x10080] =	vst v63  }
0x29: {  	s0 =	rddreg [dreg:$0x5];
	v3 =	vperm.xlane v3, v2  }
0x2a: {  	[hbm4b:s4+s2] =	stream.indirect_vreg.scatter [tilespmem:s0], [sflag:$0x1], $0x80, v4, vm0, $0xb8;
	[tilespmem:$0x10080] =	vst v63  }
0x2b: {  	s10 =	rddreg [dreg:$0x6];
	v3 =	vadd.s32 v1, v3  }
0x2c: {  	[hbm4b:s5+s2] =	stream.indirect_vreg.scatter [tilespmem:s10], [sflag:$0x1], $0x80, v4, vm0, $0xb8;
	[tilespmem:$0x10080] =	vst v63  }
0x2d: {  	s0 =	rddreg [dreg:$0x7]  }
0x2e: {  	[hbm4b:s6+s2] =	stream.indirect_vreg.scatter [tilespmem:s0], [sflag:$0x1], $0x80, v4, vm0, $0xb8;
	[tilespmem:$0x10080] =	vst v63  }
0x2f: {  	s10 =	rddreg [dreg:$0x8]  }
0x30: {  	[hbm4b:s3+s2] =	stream.indirect_vreg.scatter [tilespmem:s10], [sflag:$0x1], $0x80, v3, vm0, $0xb8;
	[tilespmem:$0x10080] =	vst v63  }
0x31: {  	s0 =	rddreg [dreg:$0x9]  }
0x32: {  	[hbm4b:s4+s2] =	stream.indirect_vreg.scatter [tilespmem:s0], [sflag:$0x1], $0x80, v3, vm0, $0xb8;
	[tilespmem:$0x10080] =	vst v63  }
0x33: {  	s10 =	rddreg [dreg:$0xa]  }
0x34: {  	[hbm4b:s5+s2] =	stream.indirect_vreg.scatter [tilespmem:s10], [sflag:$0x1], $0x80, v3, vm0, $0xb8;
	[tilespmem:$0x10080] =	vst v63  }
0x35: {  	s0 =	rddreg [dreg:$0xb]  }
0x36: {  	[hbm4b:s6+s2] =	stream.indirect_vreg.scatter [tilespmem:s0], [sflag:$0x1], $0x80, v3, vm0, $0xb8;
	[tilespmem:$0x10080] =	vst v63  }
0x37: {  	v3 =	vld [tilespmem:$0x10];
	_ =	sdelay $0x4  }
0x38: {  	v61 =	vshll.u32 v3, $0x3  }
0x39: {  	v3 =	vand.u32 $0x7, v3;
	v4 =	vand.u32 $0xFFFFFFC0, v61  }
0x3a: {  	v3 =	vor.u32 v3, v4  }
0x3b: {  	v4 =	vperm.xlane v3, v0;
	_ =	sdelay $0x1  }
0x3c: {  	v4 =	vadd.s32 v1, v4;
	_ =	sdelay $0x3  }
0x3d: {  	s0 =	rddreg [dreg:$0xc]  }
0x3e: {  	[hbm4b:s3+s2] =	stream.indirect_vreg.scatter [tilespmem:s0], [sflag:$0x1], $0x80, v4, vm0, $0xb8;
	[tilespmem:$0x10080] =	vst v63  }
0x3f: {  	s10 =	rddreg [dreg:$0xd];
	v3 =	vperm.xlane v3, v2  }
0x40: {  	[hbm4b:s4+s2] =	stream.indirect_vreg.scatter [tilespmem:s10], [sflag:$0x1], $0x80, v4, vm0, $0xb8;
	[tilespmem:$0x10080] =	vst v63  }
0x41: {  	v3 =	vadd.s32 v1, v3;
	s0 =	rddreg [dreg:$0xe]  }
0x42: {  	[hbm4b:s5+s2] =	stream.indirect_vreg.scatter [tilespmem:s0], [sflag:$0x1], $0x80, v4, vm0, $0xb8;
	[tilespmem:$0x10080] =	vst v63  }
0x43: {  	s10 =	simm.s32 $0x5880  }
0x44: {  	[hbm4b:s6+s2] =	stream.indirect_vreg.scatter [tilespmem:s10], [sflag:$0x1], $0x80, v4, vm0, $0xb8;
	[tilespmem:$0x10080] =	vst v63  }
0x45: {  	_ = 	snop  }
0x46: {  	[hbm4b:s3+s2] =	stream.indirect_vreg.scatter [tilespmem:s11], [sflag:$0x1], $0x80, v3, vm0, $0xb8;
	[tilespmem:$0x10080] =	vst v63  }
0x47: {  	_ = 	snop  }
0x48: {  	[hbm4b:s4+s2] =	stream.indirect_vreg.scatter [tilespmem:s12], [sflag:$0x1], $0x80, v3, vm0, $0xb8;
	[tilespmem:$0x10080] =	vst v63  }
0x49: {  	_ = 	snop  }
0x4a: {  	[hbm4b:s5+s2] =	stream.indirect_vreg.scatter [tilespmem:s13], [sflag:$0x1], $0x80, v3, vm0, $0xb8;
	[tilespmem:$0x10080] =	vst v63  }
0x4b: {  	_ = 	snop  }
0x4c: {  	[hbm4b:s6+s2] =	stream.indirect_vreg.scatter [tilespmem:s14], [sflag:$0x1], $0x80, v3, vm0, $0xb8;
	[tilespmem:$0x10080] =	vst v63  }
0x4d: {  	v3 =	vld [tilespmem:$0x20];
	_ =	sdelay $0x4  }
0x4e: {  	v62 =	vshll.u32 v3, $0x3  }
0x4f: {  	v3 =	vand.u32 $0x7, v3;
	v4 =	vand.u32 $0xFFFFFFC0, v62  }
0x50: {  	v3 =	vor.u32 v3, v4  }
0x51: {  	v4 =	vperm.xlane v3, v0;
	_ =	sdelay $0x1  }
0x52: {  	v4 =	vadd.s32 v1, v4;
	_ =	sdelay $0x4  }
0x53: {  	[hbm4b:s3+s2] =	stream.indirect_vreg.scatter [tilespmem:s15], [sflag:$0x1], $0x80, v4, vm0, $0xb8;
	[tilespmem:$0x10080] =	vst v63  }
0x54: {  	v3 =	vperm.xlane v3, v2  }
0x55: {  	[hbm4b:s4+s2] =	stream.indirect_vreg.scatter [tilespmem:s16], [sflag:$0x1], $0x80, v4, vm0, $0xb8;
	[tilespmem:$0x10080] =	vst v63  }
0x56: {  	v3 =	vadd.s32 v1, v3  }
0x57: {  	[hbm4b:s5+s2] =	stream.indirect_vreg.scatter [tilespmem:s17], [sflag:$0x1], $0x80, v4, vm0, $0xb8;
	[tilespmem:$0x10080] =	vst v63  }
0x58: {  	_ = 	snop  }
0x59: {  	[hbm4b:s6+s2] =	stream.indirect_vreg.scatter [tilespmem:s18], [sflag:$0x1], $0x80, v4, vm0, $0xb8;
	[tilespmem:$0x10080] =	vst v63  }
0x5a: {  	_ = 	snop  }
0x5b: {  	[hbm4b:s3+s2] =	stream.indirect_vreg.scatter [tilespmem:s19], [sflag:$0x1], $0x80, v3, vm0, $0xb8;
	[tilespmem:$0x10080] =	vst v63  }
0x5c: {  	_ = 	snop  }
0x5d: {  	[hbm4b:s4+s2] =	stream.indirect_vreg.scatter [tilespmem:s20], [sflag:$0x1], $0x80, v3, vm0, $0xb8;
	[tilespmem:$0x10080] =	vst v63  }
0x5e: {  	_ = 	snop  }
0x5f: {  	[hbm4b:s5+s2] =	stream.indirect_vreg.scatter [tilespmem:s21], [sflag:$0x1], $0x80, v3, vm0, $0xb8;
	[tilespmem:$0x10080] =	vst v63  }
0x60: {  	_ = 	snop  }
0x61: {  	[hbm4b:s6+s2] =	stream.indirect_vreg.scatter [tilespmem:s22], [sflag:$0x1], $0x80, v3, vm0, $0xb8;
	[tilespmem:$0x10080] =	vst v63  }
0x62: {  	v3 =	vld [tilespmem:$0x30];
	_ =	sdelay $0x4  }
0x63: {  	v63 =	vshll.u32 v3, $0x3  }
0x64: {  	v3 =	vand.u32 $0x7, v3;
	v4 =	vand.u32 $0xFFFFFFC0, v63  }
0x65: {  	v3 =	vor.u32 v3, v4  }
0x66: {  	v4 =	vperm.xlane v3, v0;
	_ =	sdelay $0x1  }
0x67: {  	v4 =	vadd.s32 v1, v4;
	_ =	sdelay $0x4  }
0x68: {  	[hbm4b:s3+s2] =	stream.indirect_vreg.scatter [tilespmem:s23], [sflag:$0x1], $0x80, v4, vm0, $0xb8;
	[tilespmem:$0x10080] =	vst v63  }
0x69: {  	v3 =	vperm.xlane v3, v2  }
0x6a: {  	[hbm4b:s4+s2] =	stream.indirect_vreg.scatter [tilespmem:s24], [sflag:$0x1], $0x80, v4, vm0, $0xb8;
	[tilespmem:$0x10080] =	vst v63  }
0x6b: {  	v3 =	vadd.s32 v1, v3  }
0x6c: {  	[hbm4b:s5+s2] =	stream.indirect_vreg.scatter [tilespmem:s25], [sflag:$0x1], $0x80, v4, vm0, $0xb8;
	[tilespmem:$0x10080] =	vst v63  }
0x6d: {  	_ = 	snop  }
0x6e: {  	[hbm4b:s6+s2] =	stream.indirect_vreg.scatter [tilespmem:s26], [sflag:$0x1], $0x80, v4, vm0, $0xb8;
	[tilespmem:$0x10080] =	vst v63  }
0x6f: {  	_ = 	snop  }
0x70: {  	[hbm4b:s3+s2] =	stream.indirect_vreg.scatter [tilespmem:s28], [sflag:$0x1], $0x80, v3, vm0, $0xb8;
	[tilespmem:$0x10080] =	vst v63  }
0x71: {  	_ = 	snop  }
0x72: {  	[hbm4b:s4+s2] =	stream.indirect_vreg.scatter [tilespmem:s29], [sflag:$0x1], $0x80, v3, vm0, $0xb8;
	[tilespmem:$0x10080] =	vst v63  }
0x73: {  	p0 =	sne.s32 s7, $0x1  }
0x74: {  	[hbm4b:s5+s2] =	stream.indirect_vreg.scatter [tilespmem:s30], [sflag:$0x1], $0x80, v3, vm0, $0xb8;
	[tilespmem:$0x10080] =	vst v63  }
.Ltmp0:
0x75: {  	_ = 	snop;
	(pc) =	sbr.rel @p0 .LBB2_1-.Ltmp0, $4  }
0x76: {  	[hbm4b:s6+s2] =	stream.indirect_vreg.scatter [tilespmem:s31], [sflag:$0x1], $0x80, v3, vm0, $0xb8;
	[tilespmem:$0x10080] =	vst v63  }
0x77: {  	_ =	swait.ge [sflag:s1], $0x10000  }
0x78: {  	[sflag:s1] =	ssyncset.done $0x0  }
0x79: {  	s7 =	sadd.s32 $0xFFFFFFFF, s7;
	[sflag:s1] =	ssyncadd.s32 $0xFFFF0000  }
0x7a: {  	_ =	sfence.sel $0x180000  }
0x7b: {  	[bflag:$0x0] =	sbarrier.arrive $0xFFFF  }
0x7c: {  	_ =	strace $0x90000047  }
0x7d: {  	s0 =	stileid.u32;
	[bflag:$0x2] =	sbarrier.arrive $0xFFFF  }
0x7e: {  	p0 =	sne.s32 s0, $0x0;
	s0 =	rddreg [dreg:$0x2]  }
0x7f: {  	s0 =	sadd.s32 @!p0 $0x100000, s0  }
0x80: {  	[sflag:s0] =	ssyncadd.tile.s32 @!p0 $0x1;
	_ =	shalt  }
.Lfunc_end2:
_tile_overlayer_lowered:
.L_overlay_start_2:
0x81: {  	(tag) =	ssettag $0x2  }
0x82: {  	s0 =	rddreg [dreg:$0x0];
	s2 =	stileid.u32  }
0x83: {  	s1 =	rddreg [dreg:$0x1];
	p0 =	sne.s32 s2, $0x0  }
0x84: {  	s3 =	rddreg [dreg:$0x2];
	[bflag:$0x3] =	sbarrier.arrive $0xFFFF;
	s2 =	simm.s32 @!p0 $0x1C02  }
0x85: {  	[timem:s3], [sflag:s2] =	dma.local @!p0 [hbm:s0], s1  }
0x86: {  	s0 =	simm.s32 @!p0 $0x2  }
0x87: {  	_ =	swait.ge @!p0 [sflag:s0], s1  }
0x88: {  	s1 =	ssub.s32 @!p0 $0x0, s1;
	[sflag:s0] =	ssyncset.done @!p0 $0x0  }
0x89: {  	[sflag:s0] =	ssyncadd.s32 @!p0 s1  }
0x8a: {  	[bflag:$0x3] =	sbarrier.arrive $0xFFFF  }
0x8b: {  	_ =	shalt  }

// kernel: kernel.9.cloned.1.call-start
scs
__scs_entry_jumppad:
0x0: {  	(pc) =	sbr.rel $0x88, $3  }
0x1: {  	(tag) =	ssettag $0x0;
	lr =	simm.s32 $0x1  }
0x2: {  	[smem:$0x3F98] =	sst lr;
	_ =	strace $0xD0000000  }
0x3: {  	_ = 	snop  }
0x4: {  	_ = 	snop  }
0x5: {  	_ = 	snop  }
0x6: {  	_ = 	snop  }
0x7: {  	_ = 	snop  }
__scs_overlays_trampoline_lowered:
0x8: {  	[smem:$0x3FA7] =	sst s0  }
0x9: {  	[smem:$0x3FA8] =	sst s1  }
0xa: {  	[smem:$0x3FA9] =	sst s2  }
0xb: {  	[smem:$0x3FAA] =	sst s3  }
0xc: {  	[smem:$0x3FAB] =	sst s4  }
0xd: {  	[smem:$0x3FAC] =	sst s5  }
0xe: {  	[smem:$0x3FAD] =	sst s6  }
0xf: {  	[smem:$0x3FAE] =	sst s7  }
0x10: {  	[smem:$0x3FAF] =	sst s8  }
0x11: {  	[smem:$0x3FB0] =	sst s9;
	s0 =	simm.s32 @!p0 $0x0  }
0x12: {  	s1 =	sld [smem:$0x3F96];
	s0 =	simm.s32 @p0 $0x1  }
0x13: {  	[smem:$0x3FB1] =	sst s0;
	s0 =	simm.s32 @!p1 $0x0  }
0x14: {  	s2 =	sld [smem:$0x3F95];
	s0 =	simm.s32 @p1 $0x1  }
0x15: {  	[smem:$0x3FB2] =	sst s0;
	s0 =	simm.s32 @!p2 $0x0  }
0x16: {  	s3 =	sld [smem:$0x3FDB];
	s0 =	simm.s32 @p2 $0x1  }
0x17: {  	s4 =	simm.s32 $0x1BF5;
	[smem:$0x3FB4] =	sst s0  }
0x18: {  	s0 =	sld [smem:$0x3F97];
	_ =	swait.ge [sflag:s4], $0x0  }
0x19: {  	s7 =	sld [smem:$0x3F98]  }
0x1a: {  	s8 =	sadd.s32 $0xFFFFE003, lr  }
0x1b: {  	s9 =	sadd.s32 $0xFFFFFEF7, lr;
	s5 =	simm.s32 $0xFFFFFFFF;
	p2 =	slt.u32 s8, $0xFFFFF086  }
0x1c: {  	p1 =	slt.u32 s9, $0xF7A;
	s5 =	simm.s32 @!p2 $0x0  }
0x1d: {  	s5 =	simm.s32 @p1 $0x1;
	p0 =	seq.s32 s7, s2  }
0x1e: {  	s7 =	smul.u32 @!p0 $0xF7A, s2;
	p2 =	seq.s32 @!p0 s5, $0x0  }
0x1f: {  	s9 =	smul.u32 $0xF7A, s1;
	s8 =	simm.s32 @!p0 $0x1BF5;
	p2 =	por !p2, p0  }
0x20: {  	[sflag:s8] =	ssyncset.s32 @!p0 $0xFFFFF086;
	s6 =	sadd.s32 @!p0 s3, s7;
	s7 =	simm.s32 @!p0 $0x108  }
0x21: {  	s3 =	sadd.s32 s3, s9;
	s6 =	sadd.s32 @!p0 $0x88, s6;
	s7 =	simm.s32 @p2 $0x1082  }
0x22: {  	[simem:s7], [sflag:s8] =	dma.local @!p0 [hbm:s6], $0xF7A  }
0x23: {  	s9 =	sor.u32 $0xD0000000, s2;
	s6 =	simm.s32 $0x108;
	_ =	swait.ge @!p0 [sflag:s8], $0x0  }
0x24: {  	s3 =	sadd.s32 $0x88, s3;
	s6 =	simm.s32 @!p1 $0x1082;
	[sflag:s4] =	ssyncset.s32 $0xFFFFF086  }
0x25: {  	[simem:s6], [sflag:s4] =	dma.local [hbm:s3], $0xF7A  }
0x26: {  	[smem:$0x3F98] =	sst s1;
	(tag) =	ssettag s2;
	_ =	strace s9  }
0x27: {  	s1 =	sld [smem:$0x3FA8]  }
0x28: {  	s2 =	sld [smem:$0x3FA9]  }
0x29: {  	s4 =	sld [smem:$0x3FAB]  }
0x2a: {  	p0 =	seq.s32 s5, $0x0;
	s5 =	sld [smem:$0x3FAC]  }
0x2b: {  	s6 =	sld [smem:$0x3FAD]  }
0x2c: {  	s7 =	sld [smem:$0x3FAE]  }
0x2d: {  	s3 =	simm.s32 $0x108;
	s8 =	sld [smem:$0x3FAF]  }
0x2e: {  	s3 =	simm.s32 @!p0 $0x1082;
	s9 =	sld [smem:$0x3FB0]  }
0x2f: {  	lr =	sadd.s32 s0, s3;
	s0 =	sld [smem:$0x3FA7]  }
0x30: {  	s3 =	sld [smem:$0x3FAA]  }
0x31: {  	[smem:$0x3FB3] =	sst s10  }
0x32: {  	s10 =	sld [smem:$0x3FB1];
	_ =	sdelay $0x3  }
0x33: {  	p0 =	seq.s32 s10, $0x1;
	s10 =	sld [smem:$0x3FB3];
	_ =	sdelay $0x3  }
0x34: {  	[smem:$0x3FB3] =	sst s10  }
0x35: {  	s10 =	sld [smem:$0x3FB2];
	_ =	sdelay $0x3  }
0x36: {  	p1 =	seq.s32 s10, $0x1;
	s10 =	sld [smem:$0x3FB3];
	_ =	sdelay $0x3  }
0x37: {  	[smem:$0x3FB3] =	sst s10  }
0x38: {  	s10 =	sld [smem:$0x3FB4]  }
0x39: {  	_ = 	snop;
	(pc) =	sbr.ind lr, $3  }
0x3a: {  	_ = 	snop  }
0x3b: {  	_ = 	snop  }
0x3c: {  	p2 =	seq.s32 s10, $0x1;
	s10 =	sld [smem:$0x3FB3]  }
0x3d: {  	_ =	shalt  }
0x3e: {  	_ =	shalt  }
0x3f: {  	_ =	shalt  }
0x40: {  	_ =	shalt  }
0x41: {  	_ =	shalt  }
0x42: {  	_ =	shalt  }
0x43: {  	_ =	shalt  }
0x44: {  	_ =	shalt  }
0x45: {  	_ =	shalt  }
0x46: {  	_ =	shalt  }
0x47: {  	_ =	shalt  }
0x48: {  	_ =	shalt  }
0x49: {  	_ =	shalt  }
0x4a: {  	_ =	shalt  }
0x4b: {  	_ =	shalt  }
0x4c: {  	_ =	shalt  }
0x4d: {  	_ =	shalt  }
0x4e: {  	_ =	shalt  }
0x4f: {  	_ =	shalt  }
0x50: {  	_ =	shalt  }
0x51: {  	_ =	shalt  }
0x52: {  	_ =	shalt  }
0x53: {  	_ =	shalt  }
0x54: {  	_ =	shalt  }
0x55: {  	_ =	shalt  }
0x56: {  	_ =	shalt  }
0x57: {  	_ =	shalt  }
0x58: {  	_ =	shalt  }
0x59: {  	_ =	shalt  }
0x5a: {  	_ =	shalt  }
0x5b: {  	_ =	shalt  }
0x5c: {  	_ =	shalt  }
0x5d: {  	_ =	shalt  }
0x5e: {  	_ =	shalt  }
0x5f: {  	_ =	shalt  }
0x60: {  	_ =	shalt  }
0x61: {  	_ =	shalt  }
0x62: {  	_ =	shalt  }
0x63: {  	_ =	shalt  }
0x64: {  	_ =	shalt  }
0x65: {  	_ =	shalt  }
0x66: {  	_ =	shalt  }
0x67: {  	_ =	shalt  }
0x68: {  	_ =	shalt  }
0x69: {  	_ =	shalt  }
0x6a: {  	_ =	shalt  }
0x6b: {  	_ =	shalt  }
0x6c: {  	_ =	shalt  }
0x6d: {  	_ =	shalt  }
0x6e: {  	_ =	shalt  }
0x6f: {  	_ =	shalt  }
0x70: {  	_ =	shalt  }
0x71: {  	_ =	shalt  }
0x72: {  	_ =	shalt  }
0x73: {  	_ =	shalt  }
0x74: {  	_ =	shalt  }
0x75: {  	_ =	shalt  }
0x76: {  	_ =	shalt  }
0x77: {  	_ =	shalt  }
0x78: {  	_ =	shalt  }
0x79: {  	_ =	shalt  }
0x7a: {  	_ =	shalt  }
0x7b: {  	_ =	shalt  }
0x7c: {  	_ =	shalt  }
0x7d: {  	_ =	shalt  }
0x7e: {  	_ =	shalt  }
0x7f: {  	_ =	shalt  }
0x80: {  	_ =	shalt  }
0x81: {  	_ =	shalt  }
0x82: {  	_ =	shalt  }
0x83: {  	_ =	shalt  }
0x84: {  	_ =	shalt  }
0x85: {  	_ =	shalt  }
0x86: {  	_ =	shalt  }
0x87: {  	_ =	shalt  }
.Lfunc_end0:
.L_simem_size_0:
called_computation.1_lowered:
.L_overlay_start_0:
0x88: {  	s2 =	sld [smem:$0x3FD9]  }
0x89: {  	s3 =	sld [smem:$0x3FFE];
	_ =	sdelay $0x1  }
0x8a: {  	s1 =	srdreg.scid  }
0x8b: {  	s0 =	sand.u32 $0x1, s1  }
0x8c: {  	s14 =	sshll.u32 s0, $0xA;
	s2 =	sadd.s32 s3, s2  }
0x8d: {  	s2 =	sadd.s32 s2, s14  }
0x8e: {  	[smem:$0x3FBF] =	sst s2  }
0x8f: {  	_ = 	snop  }
0x90: {  	s2 =	sld [smem:$0x3FD0];
	_ =	sdelay $0x2  }
0x91: {  	s15 =	simm.s32 $0xA;
	s4 =	simm.s32 $0x10  }
0x92: {  	[smem:s4], [sflag:s15] =	dma.local [hbm:s2], $0x1  }
0x93: {  	_ =	swait.eq [sflag:s15], $0x1  }
0x94: {  	[sflag:s15] =	ssyncset.done $0x0  }
0x95: {  	[sflag:s15] =	ssyncadd.s32 $0xFFFFFFFF  }
0x96: {  	s16 =	sld [smem:$0x10];
	(tm) =	ssettm $0x1  }
0x97: {  	s17 =	sld [smem:$0x3FFB];
	_ =	sdelay $0x3  }
0x98: {  	_ =	strace s17  }
0x99: {  	s3 =	sld [smem:$0x3FFC];
	_ =	sdelay $0x3  }
0x9a: {  	_ =	strace s3  }
0x9b: {  	s3 =	sld [smem:$0x3FFD];
	_ =	sdelay $0x3  }
0x9c: {  	_ =	strace s3  }
0x9d: {  	_ =	strace $0x8FFFFFFF  }
0x9e: {  	s18 =	sld [smem:$0x3FDB];
	_ =	sdelay $0x1  }
0x9f: {  	s19 =	simm.s32 $_scs_section_size  }
0xa0: {  	s5 =	simm.s32 $_size__tile_overlayer_lowered;
	s6 =	simm.s32 $_tile_overlayer_lowered  }
0xa1: {  	s22 =	simm.s32 $0x1BFF;
	s21 =	sshll.u32 s6, $0x1;
	s3 =	sadd.s32 s19, s18  }
0xa2: {  	s7 =	simm.s32 $0x0;
	s20 =	sshll.u32 s5, $0x1;
	s5 =	sadd.s32 s21, s3  }
0xa3: {  	[timem:s7], [sflag:s22] =	dma.local [hbm:s5], s20  }
0xa4: {  	_ =	swait.ge [sflag:s22], s20  }
0xa5: {  	s4 =	ssub.s32 $0x0, s20;
	[sflag:s22] =	ssyncset.done $0x0  }
0xa6: {  	[sflag:s22] =	ssyncadd.s32 s4;
	_ =	sdelay $0x1  }
0xa7: {  	s23 =	simm.s32 $0x1B8B  }
0xa8: {  	_ =	swait.ge [sflag:s23], $0x1  }
0xa9: {  	[sflag:s23] =	ssyncset.done $0x0  }
0xaa: {  	s25 =	simm.s32 $0x1B8E;
	s24 =	sld [smem:$0x3FFE];
	[sflag:s23] =	ssyncadd.s32 $0xFFFFFFFF  }
0xab: {  	s26 =	simm.s32 $execute0_lowered;
	[smem:$0x3FD2] =	sst s25  }
0xac: {  	s5 =	sshll.u32 s26, $0x1;
	_ =	strace $0x80000049;
	[dreg:$0x1] =	wrdreg $0xFFFFFFFF  }
0xad: {  	s28 =	simm.s32 $_size_execute0_lowered;
	s3 =	sadd.s32 s3, s5;
	[dreg:$0x0] =	wrdreg $0x0  }
0xae: {  	s5 =	sshll.u32 s28, $0x1;
	[dreg:$0x2] =	wrdreg s3  }
0xaf: {  	[dreg:$0x3] =	wrdreg s5  }
0xb0: {  	[dreg:$0x4] =	wrdreg $0xC0  }
0xb1: {  	_ =	task [dreg:s7], $0x5FFFF  }
0xb2: {  	[dreg:$0x1] =	wrdreg $0xFFFFFFFF  }
0xb3: {  	[dreg:$0x0] =	wrdreg $0x60  }
0xb4: {  	[dreg:$0x2] =	wrdreg s24  }
0xb5: {  	[dreg:$0x3] =	wrdreg s16  }
0xb6: {  	[dreg:$0x4] =	wrdreg $0x9  }
0xb7: {  	_ =	task.clear_ibuf [dreg:s7], $0x5FFFF;
	_ =	strace $0x90000049  }
0xb8: {  	s29 =	simm.s32 $0x9;
	_ =	strace $0x8000004B  }
0xb9: {  	_ =	swait.ge [sflag:s29], $0x1  }
0xba: {  	[sflag:s29] =	ssyncadd.s32 $0xFFFFFFFF  }
0xbb: {  	_ =	strace $0x9000004B  }
0xbc: {  	_ =	sfence  }
0xbd: {  	s30 =	sld [smem:$0x0];
	_ =	sdelay $0x2  }
0xbe: {  	s31 =	sshll.u32 s1, $0xD;
	s1 =	sshrl.u32 s1, $0x2  }
0xbf: {  	s3 =	sand.u32 $0x4000, s31;
	s1 =	sadd.s32 s1, s30  }
0xc0: {  	s0 =	sor.u32 s3, s0;
	s1 =	sshll.u32 s1, $0x11  }
0xc1: {  	s0 =	sor.u32 s1, s0  }
0xc2: {  	s0 =	sadd.s32 $0x8F2B, s0  }
0xc3: {  	[sflag:s0] =	ssyncadd.remote.s32 $0x1  }
0xc4: {  	_ =	sfence.sel $0xFFFF  }
0xc5: {  	[dreg:$0x0] =	wrdreg $0xFFFFFFFF;
	(pc) =	sbr.abs _section_cstart, $3  }
0xc6: {  	[dreg:$0x1] =	wrdreg $0xFFFFFFFF  }
0xc7: {  	_ =	task.clear_ibuf [dreg:s7], $0x2FFFF;
	_ =	strace $0x9FFFFFFF  }
0xc8: {  	(tm) =	ssettm $0x7FFFFFFF  }
0xc9: {  	_ =	shalt  }
tec
execute0_lowered:
.L_overlay_start_1:
0x0: {  	(tag) =	ssettag $0x1  }
0x1: {  	s1 =	srdreg.scid  }
0x2: {  	s0 =	stileid.u32;
	s6 =	rddreg [dreg:$0x0]  }
0x3: {  	s4 =	rddreg [dreg:$0x1];
	s18 =	simm.s32 $0x880;
	s19 =	simm.s32 $0x1080  }
0x4: {  	s20 =	simm.s32 $0x1880;
	s22 =	simm.s32 $0x2080;
	s23 =	simm.s32 $0x2880  }
0x5: {  	s7 =	simm.s32 $0x3080;
	s24 =	simm.s32 $0x3880;
	s8 =	simm.s32 $0x4080  }
0x6: {  	s25 =	simm.s32 $0x4880;
	s26 =	simm.s32 $0x5080;
	s1 =	sand.u32 $0x1, s1  }
0x7: {  	s9 =	simm.s32 $0x80;
	s2 =	sshll.u32 s0, $0x7;
	s3 =	sshll.u32 s1, $0x6  }
0x8: {  	s11 =	simm.s32 $0x6080;
	s3 =	sor.u32 s3, s2;
	s2 =	simm.s32 $0x0  }
0x9: {  	s12 =	simm.s32 $0x6880;
	s13 =	simm.s32 $0x7080;
	[smem:$0x7FF] =	sst s2  }
0xa: {  	s14 =	simm.s32 $0x7880;
	_ =	strace $0x8000004A;
	[dreg:$0x5] =	wrdreg s18  }
0xb: {  	s15 =	simm.s32 $0x8080;
	s16 =	simm.s32 $0x8880;
	[dreg:$0x6] =	wrdreg s19  }
0xc: {  	s17 =	simm.s32 $0x9080;
	s28 =	simm.s32 $0xE080;
	[dreg:$0x7] =	wrdreg s20  }
0xd: {  	s29 =	simm.s32 $0xE880;
	s30 =	simm.s32 $0xF080;
	[dreg:$0x8] =	wrdreg s22  }
0xe: {  	s31 =	simm.s32 $0xF880;
	s1 =	ssub.s32 $0x2, s1;
	[dreg:$0x9] =	wrdreg s23  }
0xf: {  	s21 =	sshrl.u32 s1, $0x1;
	s5 =	sshrl.u32 s3, $0x3;
	[dreg:$0xa] =	wrdreg s7  }
0x10: {  	s3 =	sshll.u32 s3, $0x7;
	s1 =	ssub.s32 s1, s21;
	[dreg:$0xb] =	wrdreg s24  }
0x11: {  	s21 =	simm.s32 $0xB080;
	s5 =	sadd.s32 s5, s6;
	[dreg:$0xc] =	wrdreg s8  }
0x12: {  	s3 =	sadd.s32 s4, s3;
	s4 =	sadd.s32 $0x141B00, s6;
	[dreg:$0xd] =	wrdreg s25  }
0x13: {  	s7 =	smax.u32 s1, $0x1;
	s8 =	simm.s32 $0x2;
	[dreg:$0xe] =	wrdreg s26  }
0x14: {  	s18 =	simm.s32 $0x9880;
	s19 =	simm.s32 $0xA080;
	s20 =	simm.s32 $0xA880  }
0x15: {  	s22 =	simm.s32 $0xB880;
	s23 =	simm.s32 $0xC080;
	s24 =	simm.s32 $0xC880  }
0x16: {  	v2 =	vlaneseq.u32;
	s25 =	simm.s32 $0xD080;
	s26 =	simm.s32 $0xD880;
	s1 =	simm.s32 $0x1  }
0x17: {  	vm0 =	vmmov $0xffff;
	v1 =	vshrl.u32 v2, $0x3;
	s5 =	sadd.s32 $0x1800, s5;
	[dreg:$0x4] =	wrdreg s3;
	s3 =	sadd.s32 $0x141A00, s6  }
0x18: {  	v0 =	vand.u32 $0x7, v2;
	v2 =	vor.u32 $0x8, v2;
	v1 =	vmul.u32 $0x8, v1;
	[dreg:$0x3] =	wrdreg s5;
	s5 =	sadd.s32 $0x141C00, s6;
	s6 =	sadd.s32 $0x141D00, s6  }
.LBB2_1:
0x19: {  	s0 =	rddreg [dreg:$0x3]  }
0x1a: {  	[tilespmem:s2], [sflag:$0x2] =	stream.linear.gather [hbm4b:s0+s2], $0x40, $0x38;
	[tilespmem:$0x10080] =	vst v63  }
0x1b: {  	_ =	swait.ge [sflag:s8], $0x40  }
0x1c: {  	[sflag:s8] =	ssyncset.done $0x0  }
0x1d: {  	[sflag:s8] =	ssyncadd.s32 $0xFFFFFFC0  }
0x1e: {  	v3 =	vld [tilespmem:$0x0];
	_ =	sdelay $0x4  }
0x1f: {  	v4 =	vshll.u32 v3, $0x3  }
0x20: {  	v3 =	vand.u32 $0x7, v3;
	v4 =	vand.u32 $0xFFFFFFC0, v4  }
0x21: {  	v3 =	vor.u32 v3, v4  }
0x22: {  	v4 =	vperm.xlane v3, v0;
	_ =	sdelay $0x1  }
0x23: {  	v4 =	vadd.s32 v1, v4;
	_ =	sdelay $0x4  }
0x24: {  	[tilespmem:s9], [sflag:$0x1] =	stream.indirect_vreg.gather [hbm4b:s3+s2], $0x80, v4, vm0, $0xb8;
	[tilespmem:$0x10080] =	vst v63  }
0x25: {  	s0 =	rddreg [dreg:$0x5];
	v3 =	vperm.xlane v3, v2  }
0x26: {  	[tilespmem:s0], [sflag:$0x1] =	stream.indirect_vreg.gather [hbm4b:s4+s2], $0x80, v4, vm0, $0xb8;
	[tilespmem:$0x10080] =	vst v63  }
0x27: {  	s10 =	rddreg [dreg:$0x6];
	v3 =	vadd.s32 v1, v3  }
0x28: {  	[tilespmem:s10], [sflag:$0x1] =	stream.indirect_vreg.gather [hbm4b:s5+s2], $0x80, v4, vm0, $0xb8;
	[tilespmem:$0x10080] =	vst v63  }
0x29: {  	s0 =	rddreg [dreg:$0x7]  }
0x2a: {  	[tilespmem:s0], [sflag:$0x1] =	stream.indirect_vreg.gather [hbm4b:s6+s2], $0x80, v4, vm0, $0xb8;
	[tilespmem:$0x10080] =	vst v63  }
0x2b: {  	s10 =	rddreg [dreg:$0x8]  }
0x2c: {  	[tilespmem:s10], [sflag:$0x1] =	stream.indirect_vreg.gather [hbm4b:s3+s2], $0x80, v3, vm0, $0xb8;
	[tilespmem:$0x10080] =	vst v63  }
0x2d: {  	s0 =	rddreg [dreg:$0x9]  }
0x2e: {  	[tilespmem:s0], [sflag:$0x1] =	stream.indirect_vreg.gather [hbm4b:s4+s2], $0x80, v3, vm0, $0xb8;
	[tilespmem:$0x10080] =	vst v63  }
0x2f: {  	s10 =	rddreg [dreg:$0xa]  }
0x30: {  	[tilespmem:s10], [sflag:$0x1] =	stream.indirect_vreg.gather [hbm4b:s5+s2], $0x80, v3, vm0, $0xb8;
	[tilespmem:$0x10080] =	vst v63  }
0x31: {  	s0 =	rddreg [dreg:$0xb]  }
0x32: {  	[tilespmem:s0], [sflag:$0x1] =	stream.indirect_vreg.gather [hbm4b:s6+s2], $0x80, v3, vm0, $0xb8;
	[tilespmem:$0x10080] =	vst v63  }
0x33: {  	v3 =	vld [tilespmem:$0x10];
	_ =	sdelay $0x4  }
0x34: {  	v61 =	vshll.u32 v3, $0x3  }
0x35: {  	v3 =	vand.u32 $0x7, v3;
	v4 =	vand.u32 $0xFFFFFFC0, v61  }
0x36: {  	v3 =	vor.u32 v3, v4  }
0x37: {  	v4 =	vperm.xlane v3, v0;
	_ =	sdelay $0x1  }
0x38: {  	v4 =	vadd.s32 v1, v4;
	_ =	sdelay $0x3  }
0x39: {  	s0 =	rddreg [dreg:$0xc]  }
0x3a: {  	[tilespmem:s0], [sflag:$0x1] =	stream.indirect_vreg.gather [hbm4b:s3+s2], $0x80, v4, vm0, $0xb8;
	[tilespmem:$0x10080] =	vst v63  }
0x3b: {  	s10 =	rddreg [dreg:$0xd];
	v3 =	vperm.xlane v3, v2  }
0x3c: {  	[tilespmem:s10], [sflag:$0x1] =	stream.indirect_vreg.gather [hbm4b:s4+s2], $0x80, v4, vm0, $0xb8;
	[tilespmem:$0x10080] =	vst v63  }
0x3d: {  	v3 =	vadd.s32 v1, v3;
	s0 =	rddreg [dreg:$0xe]  }
0x3e: {  	[tilespmem:s0], [sflag:$0x1] =	stream.indirect_vreg.gather [hbm4b:s5+s2], $0x80, v4, vm0, $0xb8;
	[tilespmem:$0x10080] =	vst v63  }
0x3f: {  	s10 =	simm.s32 $0x5880  }
0x40: {  	[tilespmem:s10], [sflag:$0x1] =	stream.indirect_vreg.gather [hbm4b:s6+s2], $0x80, v4, vm0, $0xb8;
	[tilespmem:$0x10080] =	vst v63  }
0x41: {  	_ = 	snop  }
0x42: {  	[tilespmem:s11], [sflag:$0x1] =	stream.indirect_vreg.gather [hbm4b:s3+s2], $0x80, v3, vm0, $0xb8;
	[tilespmem:$0x10080] =	vst v63  }
0x43: {  	_ = 	snop  }
0x44: {  	[tilespmem:s12], [sflag:$0x1] =	stream.indirect_vreg.gather [hbm4b:s4+s2], $0x80, v3, vm0, $0xb8;
	[tilespmem:$0x10080] =	vst v63  }
0x45: {  	_ = 	snop  }
0x46: {  	[tilespmem:s13], [sflag:$0x1] =	stream.indirect_vreg.gather [hbm4b:s5+s2], $0x80, v3, vm0, $0xb8;
	[tilespmem:$0x10080] =	vst v63  }
0x47: {  	_ = 	snop  }
0x48: {  	[tilespmem:s14], [sflag:$0x1] =	stream.indirect_vreg.gather [hbm4b:s6+s2], $0x80, v3, vm0, $0xb8;
	[tilespmem:$0x10080] =	vst v63  }
0x49: {  	v3 =	vld [tilespmem:$0x20];
	_ =	sdelay $0x4  }
0x4a: {  	v62 =	vshll.u32 v3, $0x3  }
0x4b: {  	v3 =	vand.u32 $0x7, v3;
	v4 =	vand.u32 $0xFFFFFFC0, v62  }
0x4c: {  	v3 =	vor.u32 v3, v4  }
0x4d: {  	v4 =	vperm.xlane v3, v0;
	_ =	sdelay $0x1  }
0x4e: {  	v4 =	vadd.s32 v1, v4;
	_ =	sdelay $0x4  }
0x4f: {  	[tilespmem:s15], [sflag:$0x1] =	stream.indirect_vreg.gather [hbm4b:s3+s2], $0x80, v4, vm0, $0xb8;
	[tilespmem:$0x10080] =	vst v63  }
0x50: {  	v3 =	vperm.xlane v3, v2  }
0x51: {  	[tilespmem:s16], [sflag:$0x1] =	stream.indirect_vreg.gather [hbm4b:s4+s2], $0x80, v4, vm0, $0xb8;
	[tilespmem:$0x10080] =	vst v63  }
0x52: {  	v3 =	vadd.s32 v1, v3  }
0x53: {  	[tilespmem:s17], [sflag:$0x1] =	stream.indirect_vreg.gather [hbm4b:s5+s2], $0x80, v4, vm0, $0xb8;
	[tilespmem:$0x10080] =	vst v63  }
0x54: {  	_ = 	snop  }
0x55: {  	[tilespmem:s18], [sflag:$0x1] =	stream.indirect_vreg.gather [hbm4b:s6+s2], $0x80, v4, vm0, $0xb8;
	[tilespmem:$0x10080] =	vst v63  }
0x56: {  	_ = 	snop  }
0x57: {  	[tilespmem:s19], [sflag:$0x1] =	stream.indirect_vreg.gather [hbm4b:s3+s2], $0x80, v3, vm0, $0xb8;
	[tilespmem:$0x10080] =	vst v63  }
0x58: {  	_ = 	snop  }
0x59: {  	[tilespmem:s20], [sflag:$0x1] =	stream.indirect_vreg.gather [hbm4b:s4+s2], $0x80, v3, vm0, $0xb8;
	[tilespmem:$0x10080] =	vst v63  }
0x5a: {  	_ = 	snop  }
0x5b: {  	[tilespmem:s21], [sflag:$0x1] =	stream.indirect_vreg.gather [hbm4b:s5+s2], $0x80, v3, vm0, $0xb8;
	[tilespmem:$0x10080] =	vst v63  }
0x5c: {  	_ = 	snop  }
0x5d: {  	[tilespmem:s22], [sflag:$0x1] =	stream.indirect_vreg.gather [hbm4b:s6+s2], $0x80, v3, vm0, $0xb8;
	[tilespmem:$0x10080] =	vst v63  }
0x5e: {  	v3 =	vld [tilespmem:$0x30];
	_ =	sdelay $0x4  }
0x5f: {  	v63 =	vshll.u32 v3, $0x3  }
0x60: {  	v3 =	vand.u32 $0x7, v3;
	v4 =	vand.u32 $0xFFFFFFC0, v63  }
0x61: {  	v3 =	vor.u32 v3, v4  }
0x62: {  	v4 =	vperm.xlane v3, v0;
	_ =	sdelay $0x1  }
0x63: {  	v4 =	vadd.s32 v1, v4;
	_ =	sdelay $0x4  }
0x64: {  	[tilespmem:s23], [sflag:$0x1] =	stream.indirect_vreg.gather [hbm4b:s3+s2], $0x80, v4, vm0, $0xb8;
	[tilespmem:$0x10080] =	vst v63  }
0x65: {  	v3 =	vperm.xlane v3, v2  }
0x66: {  	[tilespmem:s24], [sflag:$0x1] =	stream.indirect_vreg.gather [hbm4b:s4+s2], $0x80, v4, vm0, $0xb8;
	[tilespmem:$0x10080] =	vst v63  }
0x67: {  	v3 =	vadd.s32 v1, v3  }
0x68: {  	[tilespmem:s25], [sflag:$0x1] =	stream.indirect_vreg.gather [hbm4b:s5+s2], $0x80, v4, vm0, $0xb8;
	[tilespmem:$0x10080] =	vst v63  }
0x69: {  	_ = 	snop  }
0x6a: {  	[tilespmem:s26], [sflag:$0x1] =	stream.indirect_vreg.gather [hbm4b:s6+s2], $0x80, v4, vm0, $0xb8;
	[tilespmem:$0x10080] =	vst v63  }
0x6b: {  	_ = 	snop  }
0x6c: {  	[tilespmem:s28], [sflag:$0x1] =	stream.indirect_vreg.gather [hbm4b:s3+s2], $0x80, v3, vm0, $0xb8;
	[tilespmem:$0x10080] =	vst v63  }
0x6d: {  	_ = 	snop  }
0x6e: {  	[tilespmem:s29], [sflag:$0x1] =	stream.indirect_vreg.gather [hbm4b:s4+s2], $0x80, v3, vm0, $0xb8;
	[tilespmem:$0x10080] =	vst v63  }
0x6f: {  	_ = 	snop  }
0x70: {  	[tilespmem:s30], [sflag:$0x1] =	stream.indirect_vreg.gather [hbm4b:s5+s2], $0x80, v3, vm0, $0xb8;
	[tilespmem:$0x10080] =	vst v63  }
0x71: {  	_ = 	snop  }
0x72: {  	[tilespmem:s31], [sflag:$0x1] =	stream.indirect_vreg.gather [hbm4b:s6+s2], $0x80, v3, vm0, $0xb8;
	[tilespmem:$0x10080] =	vst v63  }
0x73: {  	_ =	swait.ge [sflag:s1], $0x10000  }
0x74: {  	p0 =	sne.s32 s7, $0x1;
	[sflag:s1] =	ssyncset.done $0x0  }
.Ltmp0:
0x75: {  	s10 =	rddreg [dreg:$0x4];
	[sflag:s1] =	ssyncadd.s32 $0xFFFF0000;
	(pc) =	sbr.rel @p0 .LBB2_1-.Ltmp0, $4  }
0x76: {  	[hbm4b:s10+s2] =	stream.linear.scatter [tilespmem:s9], [sflag:$0x2], $0x10000, $0x38;
	[tilespmem:$0x10080] =	vst v63  }
0x77: {  	_ =	swait.ge [sflag:s8], $0x10000  }
0x78: {  	[sflag:s8] =	ssyncset.done $0x0  }
0x79: {  	s7 =	sadd.s32 $0xFFFFFFFF, s7;
	[sflag:s8] =	ssyncadd.s32 $0xFFFF0000  }
0x7a: {  	_ =	sfence.sel $0x180000  }
0x7b: {  	[bflag:$0x0] =	sbarrier.arrive $0xFFFF  }
0x7c: {  	_ =	strace $0x9000004A  }
0x7d: {  	s0 =	stileid.u32;
	[bflag:$0x2] =	sbarrier.arrive $0xFFFF  }
0x7e: {  	p0 =	sne.s32 s0, $0x0;
	s0 =	rddreg [dreg:$0x2]  }
0x7f: {  	s0 =	sadd.s32 @!p0 $0x100000, s0  }
0x80: {  	[sflag:s0] =	ssyncadd.tile.s32 @!p0 $0x1;
	_ =	shalt  }
.Lfunc_end2:
_tile_overlayer_lowered:
.L_overlay_start_2:
0x81: {  	(tag) =	ssettag $0x2  }
0x82: {  	s0 =	rddreg [dreg:$0x0];
	s2 =	stileid.u32  }
0x83: {  	s1 =	rddreg [dreg:$0x1];
	p0 =	sne.s32 s2, $0x0  }
0x84: {  	s3 =	rddreg [dreg:$0x2];
	[bflag:$0x3] =	sbarrier.arrive $0xFFFF;
	s2 =	simm.s32 @!p0 $0x1C02  }
0x85: {  	[timem:s3], [sflag:s2] =	dma.local @!p0 [hbm:s0], s1  }
0x86: {  	s0 =	simm.s32 @!p0 $0x2  }
0x87: {  	_ =	swait.ge @!p0 [sflag:s0], s1  }
0x88: {  	s1 =	ssub.s32 @!p0 $0x0, s1;
	[sflag:s0] =	ssyncset.done @!p0 $0x0  }
0x89: {  	[sflag:s0] =	ssyncadd.s32 @!p0 s1  }
0x8a: {  	[bflag:$0x3] =	sbarrier.arrive $0xFFFF  }
0x8b: {  	_ =	shalt  }

</sc_bundles>
